<compile_context>
chip_gen: v7x
topology: tpu7x:2x2x1
jax: 0.10.2.dev20260603
libtpu: 0.0.44.dev20260713+nightly
codegen_flags: <defaults>
</compile_context>

<pallas_src>
import functools

import jax
import jax.numpy as jnp
from jax import lax
from jax.experimental import pallas as pl
from jax.experimental.pallas import tpu as pltpu
from jax.experimental.pallas import tpu_sc as plsc

N_NODES = 10000
D_IN = 256
D_LAT = 64

NC = 2
NS = 16
CHUNK = 128
NACC = 10240
RPT = NACC // NS
NACC_A = 10240
RPT_A = NACC_A // NS
DEG_W = 128
MB = 1000



def _deg_hist(dst32, ones_rows, zrows):
    nch = dst32.shape[1]
    mesh = plsc.VectorSubcoreMesh(core_axis_name="c", subcore_axis_name="s")

    @functools.partial(
        pl.kernel,
        out_type=jax.ShapeDtypeStruct((NC, NACC, DEG_W), jnp.float32),
        mesh=mesh,
        scratch_types=[
            pltpu.VMEM((nch, CHUNK), jnp.int32),
            pltpu.VMEM((CHUNK, DEG_W), jnp.float32),
            pltpu.VMEM_SHARED((NACC, DEG_W), jnp.float32),
            pltpu.SemaphoreType.DMA,
        ],
    )
    def deg_kernel(dst_h, ones_h, z_h, out_h, dst_v, rows_v, acc_sh, ssem):
        c = lax.axis_index("c")
        s = lax.axis_index("s")
        w = c * NS + s
        pltpu.sync_copy(dst_h.at[w], dst_v)
        pltpu.sync_copy(ones_h, rows_v)
        pltpu.sync_copy(z_h, acc_sh.at[pl.ds(s * RPT, RPT)])
        plsc.subcore_barrier()

        def swait():
            pltpu.make_async_copy(rows_v, acc_sh.at[dst_v.at[0]], ssem).wait()

        def step(j, carry):
            pltpu.async_copy(rows_v, acc_sh.at[dst_v.at[j]], ssem, add=True)

            @pl.when(j >= 3)
            def _():
                swait()

            return carry

        lax.fori_loop(0, nch, step, 0)
        swait()
        swait()
        swait()
        plsc.subcore_barrier()
        pltpu.sync_copy(acc_sh.at[pl.ds(s * RPT, RPT)],
                        out_h.at[c, pl.ds(s * RPT, RPT)])

    return deg_kernel(dst32, ones_rows, zrows)


def _make_agg(nch_tot, n_halves):
    mesh = plsc.VectorSubcoreMesh(core_axis_name="c", subcore_axis_name="s")
    nch = nch_tot // NC

    @functools.partial(
        pl.kernel,
        out_type=jax.ShapeDtypeStruct((n_halves, NC, NACC_A, 128), jnp.float32),
        mesh=mesh,
        scratch_types=[
            pltpu.VMEM((4, 2, CHUNK), jnp.int32),
            pltpu.VMEM((2, CHUNK, 128), jnp.float32),
            pltpu.VMEM_SHARED((NACC_A, 128), jnp.float32),
            pltpu.SemaphoreType.DMA,
            pltpu.SemaphoreType.DMA,
            pltpu.SemaphoreType.DMA,
        ],
    )
    def agg_kernel(ta_h, sd_h, z_h, out_h, idxr, rows2, acc_sh,
                   gsem, isem, ssem):
        c = lax.axis_index("c")
        s = lax.axis_index("s")

        def gather(q, p):
            pltpu.async_copy(ta_h.at[idxr.at[q, 0]], rows2.at[p], gsem)

        def gwait():
            pltpu.make_async_copy(ta_h.at[idxr.at[0, 0]], rows2.at[0],
                                  gsem).wait()

        def iwait():
            pltpu.make_async_copy(ta_h.at[idxr.at[0, 0]], idxr.at[0],
                                  isem).wait()

        def swait():
            pltpu.make_async_copy(rows2.at[0], acc_sh.at[idxr.at[0, 1]],
                                  ssem).wait()

        for h in range(n_halves):
            def ifetch(jj, q):
                pltpu.async_copy(sd_h.at[h, s, c * nch + jj], idxr.at[q], isem)

            pltpu.sync_copy(z_h, acc_sh.at[pl.ds(s * RPT_A, RPT_A)])
            ifetch(0, 0)
            iwait()
            ifetch(jnp.minimum(1, nch - 1), 1)
            plsc.subcore_barrier()
            gather(0, 0)

            def step(j, carry):
                p = lax.rem(j, 2)
                pn = 1 - p
                q = lax.rem(j, 4)
                qn = lax.rem(j + 1, 4)
                iwait()

                @pl.when(j >= 1)
                def _():
                    swait()

                gather(qn, pn)
                gwait()
                pltpu.async_copy(rows2.at[p], acc_sh.at[idxr.at[q, 1]], ssem,
                                 add=True)
                ifetch(jnp.minimum(j + 2, nch - 1), lax.rem(j + 2, 4))
                return carry

            lax.fori_loop(0, nch, step, 0)
            iwait()
            gwait()
            swait()
            plsc.subcore_barrier()
            pltpu.sync_copy(acc_sh.at[pl.ds(s * RPT_A, RPT_A)],
                            out_h.at[h, c, pl.ds(s * RPT_A, RPT_A)])
            if h + 1 < n_halves:
                plsc.subcore_barrier()

    return agg_kernel



def _tc_matmul1(x, W1):

    def body(x_ref, w_ref, h1_ref):
        h1_ref[0] = jnp.dot(x_ref[:], w_ref[:],
                            preferred_element_type=jnp.float32)

    return pl.pallas_call(
        body,
        grid=(2, N_NODES // MB),
        in_specs=[
            pl.BlockSpec((MB, D_IN), lambda h, i: (i, 0)),
            pl.BlockSpec((D_IN, 128), lambda h, i: (0, h)),
        ],
        out_specs=pl.BlockSpec((1, MB, 128), lambda h, i: (h, i, 0)),
        out_shape=jax.ShapeDtypeStruct((2, N_NODES, 128), jnp.float32),
    )(x, W1)


def _tc_prescale(h1, degp):

    def body(h1_ref, degp_ref, hp_ref, dinv_ref):
        deg = degp_ref[0, :, :1] + degp_ref[1, :, :1] + 1.0
        dinv = lax.rsqrt(deg)
        hp_ref[0] = h1_ref[0] * dinv
        dinv_ref[:] = dinv

    return pl.pallas_call(
        body,
        grid=(2, N_NODES // MB),
        in_specs=[
            pl.BlockSpec((1, MB, 128), lambda h, i: (h, i, 0)),
            pl.BlockSpec((2, MB, DEG_W), lambda h, i: (0, i, 0)),
        ],
        out_specs=[
            pl.BlockSpec((1, MB, 128), lambda h, i: (h, i, 0)),
            pl.BlockSpec((MB, 1), lambda h, i: (i, 0)),
        ],
        out_shape=[
            jax.ShapeDtypeStruct((2, N_NODES, 128), jnp.float32),
            jax.ShapeDtypeStruct((N_NODES, 1), jnp.float32),
        ],
    )(h1, degp)


def _tc_bn_relu_matmul(agg1, hp1, dinv, b1s, gs, bes, Wc):

    def body(agg_ref, hp_ref, dinv_ref, b1_ref, g_ref, be_ref, wc_ref, out_ref):
        hid = pl.program_id(0)
        dinv = dinv_ref[:]
        h = (agg_ref[0, 0, :N_NODES, :] + agg_ref[0, 1, :N_NODES, :]
             + hp_ref[0]) * dinv + b1_ref[0, 0]
        mean = jnp.mean(h, axis=0, keepdims=True)
        var = jnp.mean(h * h, axis=0, keepdims=True) - mean * mean
        hn = (h - mean) * lax.rsqrt(var + 1e-5) * g_ref[0, 0] + be_ref[0, 0]
        hr = jnp.maximum(hn, 0.0)
        part = jnp.dot(hr, wc_ref[:], preferred_element_type=jnp.float32)

        @pl.when(hid == 0)
        def _():
            out_ref[:] = part

        @pl.when(hid == 1)
        def _():
            out_ref[:] = (out_ref[:] + part) * dinv

    return pl.pallas_call(
        body,
        grid=(2,),
        in_specs=[
            pl.BlockSpec((1, NC, NACC_A, 128), lambda h: (h, 0, 0, 0)),
            pl.BlockSpec((1, N_NODES, 128), lambda h: (h, 0, 0)),
            pl.BlockSpec((N_NODES, 1), lambda h: (0, 0)),
            pl.BlockSpec((1, 1, 128), lambda h: (h, 0, 0)),
            pl.BlockSpec((1, 1, 128), lambda h: (h, 0, 0)),
            pl.BlockSpec((1, 1, 128), lambda h: (h, 0, 0)),
            pl.BlockSpec((128, 128), lambda h: (h, 0)),
        ],
        out_specs=pl.BlockSpec((N_NODES, 128), lambda h: (0, 0)),
        out_shape=jax.ShapeDtypeStruct((N_NODES, 128), jnp.float32),
    )(agg1, hp1, dinv, b1s, gs, bes, Wc)


def _tc_final(agg2, gp, dinv, bc):

    def body(agg_ref, gp_ref, dinv_ref, b_ref, out_ref):
        v = ((agg_ref[0] + agg_ref[1] + gp_ref[:]) * dinv_ref[:] + b_ref[:])
        out_ref[0] = v[:, :D_LAT]
        out_ref[1] = v[:, D_LAT:]

    return pl.pallas_call(
        body,
        grid=(N_NODES // MB,),
        in_specs=[
            pl.BlockSpec((2, MB, 128), lambda i: (0, i, 0)),
            pl.BlockSpec((MB, 128), lambda i: (i, 0)),
            pl.BlockSpec((MB, 1), lambda i: (i, 0)),
            pl.BlockSpec((1, 128), lambda i: (0, 0)),
        ],
        out_specs=pl.BlockSpec((2, MB, D_LAT), lambda i: (0, i, 0)),
        out_shape=jax.ShapeDtypeStruct((2, N_NODES, D_LAT), jnp.float32),
    )(agg2, gp, dinv, bc)



def kernel(x, edge_index, W1, b1, gamma, beta, W_mu, b_mu, W_ls, b_ls):
    n_edges = edge_index.shape[1]
    e_pad = ((n_edges + NS * CHUNK - 1) // (NS * CHUNK)) * (NS * CHUNK)
    e_pad = ((e_pad + NC * NS * CHUNK - 1) // (NC * NS * CHUNK)) * (NC * NS * CHUNK)
    pad = e_pad - n_edges

    src = edge_index[0]
    dst = edge_index[1]
    ar = jnp.arange(pad, dtype=jnp.int32)
    srcp = jnp.concatenate([src, ar % N_NODES])
    dstp = jnp.concatenate([dst, N_NODES + ar % (NACC_A - N_NODES)])
    src16 = srcp.reshape(NS, -1, CHUNK)
    dst16 = dstp.reshape(NS, -1, CHUNK)
    sd16 = jnp.stack([src16, dst16], axis=2)
    dst32 = dstp.reshape(NC * NS, -1, CHUNK)

    ones_rows = jnp.ones((CHUNK, DEG_W), jnp.float32)
    z16 = jnp.zeros((RPT, DEG_W), jnp.float32)
    z128 = jnp.zeros((RPT_A, 128), jnp.float32)

    h1 = _tc_matmul1(x, W1)
    degp = _deg_hist(dst32, ones_rows, z16)

    hp1, dinv = _tc_prescale(h1, degp)

    sd2 = jnp.stack([sd16, sd16 + jnp.array([N_NODES, 0], jnp.int32)[None, None, :, None]])
    agg1 = _make_agg(src16.shape[1], 2)(hp1.reshape(2 * N_NODES, 128), sd2, z128)

    gp = _tc_bn_relu_matmul(
        agg1, hp1, dinv,
        b1.reshape(2, 1, 128), gamma.reshape(2, 1, 128), beta.reshape(2, 1, 128),
        jnp.concatenate([W_mu, W_ls], axis=1))

    agg2 = _make_agg(src16.shape[1], 1)(gp, sd16[None], z128)
    agg2 = agg2.reshape(NC, NACC_A, 128)

    out = _tc_final(agg2, gp, dinv,
                    jnp.concatenate([b_mu, b_ls]).reshape(1, 128))
    return (out[0], out[1])

# --- scband reference (transcript-rebuilt; emitter-appended) ---
"""Pipeline reference for scband-vgaeencoder-11029476016715 (READ-ONLY COPY).

The authoritative reference and input builder live on the scoring server;
editing this copy changes nothing except your own understanding.
"""

import jax, jax.numpy as jnp
import numpy as np

N = 10000
E = 160000
D_IN = 256
D_HID = 256
D_LAT = 64


def _glorot(key, fan_in, fan_out):
    scale = jnp.sqrt(2.0 / (fan_in + fan_out))
    return jax.random.normal(key, (fan_in, fan_out), dtype=jnp.float32) * scale


def gcn_conv(x, src, dst, W, b, num_nodes):
    # symmetric normalization (PyG gcn_norm), self-loops already appended to src/dst
    deg = jnp.zeros((num_nodes,), dtype=x.dtype).at[dst].add(1.0)
    dinv = jnp.where(deg > 0, deg ** -0.5, 0.0)
    norm = dinv[src] * dinv[dst]
    h = x @ W
    msg = h[src] * norm[:, None]
    out = jnp.zeros((num_nodes, W.shape[1]), dtype=x.dtype).at[dst].add(msg)
    return out + b


def setup_inputs(seed: int = 0):
    key = jax.random.key(seed)
    ks = jax.random.split(key, 10)
    x = jax.random.normal(ks[0], (N, D_IN), dtype=jnp.float32)
    edge_index = jax.random.randint(ks[1], (2, E), 0, N, dtype=jnp.int32)
    W1 = _glorot(ks[2], D_IN, D_HID)
    b1 = jnp.zeros((D_HID,), dtype=jnp.float32)
    gamma = jnp.ones((D_HID,), dtype=jnp.float32)
    beta = jnp.zeros((D_HID,), dtype=jnp.float32)
    W_mu = _glorot(ks[3], D_HID, D_LAT)
    b_mu = jnp.zeros((D_LAT,), dtype=jnp.float32)
    W_ls = _glorot(ks[4], D_HID, D_LAT)
    b_ls = jnp.zeros((D_LAT,), dtype=jnp.float32)
    return {"x": x, "edge_index": edge_index, "W1": W1, "b1": b1, "gamma": gamma, "beta": beta, "W_mu": W_mu, "b_mu": b_mu, "W_ls": W_ls, "b_ls": b_ls}


def reference(x, edge_index, W1, b1, gamma, beta, W_mu, b_mu, W_ls, b_ls):
    num_nodes = x.shape[0]
    loop = jnp.arange(num_nodes, dtype=edge_index.dtype)
    src = jnp.concatenate([edge_index[0], loop])
    dst = jnp.concatenate([edge_index[1], loop])
    # conv1
    h = gcn_conv(x, src, dst, W1, b1, num_nodes)
    # BatchNorm1d (training-mode batch statistics, biased variance, eps=1e-5)
    mean = jnp.mean(h, axis=0)
    var = jnp.var(h, axis=0)
    h = (h - mean) / jnp.sqrt(var + 1e-5) * gamma + beta
    # ReLU; dropout is identity in eval
    h = jax.nn.relu(h)
    mu = gcn_conv(h, src, dst, W_mu, b_mu, num_nodes)
    logstd = gcn_conv(h, src, dst, W_ls, b_ls, num_nodes)
    return (mu, logstd)

if __name__ == "__main__":
    import jax
    _d = setup_inputs()
    print(jax.jit(kernel)(*tuple(_d.values())))

</pallas_src>

<mosaic_0001>
#map = affine_map<(d0, d1) -> (0, 0)>
#map1 = affine_map<(d0, d1) -> (0, 0, 0, 0, 0)>
#map2 = affine_map<(d0, d1) -> (0, 0, 0, 0)>
module attributes {stable_mosaic.version = 14 : i64} {
  func.func @agg_kernel(%arg0: i32, %arg1: i32, %arg2: memref<10000x128xf32, #tpu.memory_space<hbm>>, %arg3: memref<1x16x80x2x128xi32, #tpu.memory_space<hbm>>, %arg4: memref<640x128xf32, #tpu.memory_space<hbm>>, %arg5: memref<1x2x10240x128xf32, #tpu.memory_space<hbm>>, %arg6: memref<4x2x128xi32, #tpu.memory_space<vmem>>, %arg7: memref<2x128x128xf32, #tpu.memory_space<vmem>>, %arg8: memref<10240x128xf32, #tpu.memory_space<vmem_shared>>, %arg9: memref<!tpu.dma_semaphore, #tpu.memory_space<semaphore_mem>>, %arg10: memref<!tpu.dma_semaphore, #tpu.memory_space<semaphore_mem>>, %arg11: memref<!tpu.dma_semaphore, #tpu.memory_space<semaphore_mem>>) attributes {dimension_semantics = [#tpu.dimension_semantics<core_parallel>, #tpu.dimension_semantics<subcore_parallel>], iteration_bounds = array<i64: 2, 16>, scalar_prefetch = 0 : i64, scratch_operands = 6 : i64, tpu.core_type = #tpu.core_type<sc_vector_subcore>, window_params = [{transform_indices = #map}, {transform_indices = #map1}, {transform_indices = #map}, {transform_indices = #map2}]} {
    %mul3A = arith.constant 640 : i32
    %mul3A_0 = arith.muli %arg1, %mul3A : i32
    "tpu.region"() ({
      %run_scoped3A_118 = tpu.sem_alloc : memref<!tpu.dma_semaphore, #tpu.memory_space<semaphore_mem>>
      %dma_start3A_119 = arith.constant 0 : i32
      %dma_start3A_120 = tpu.memref_slice %arg8[%mul3A_0, %dma_start3A_119] : memref<10240x128xf32, #tpu.memory_space<vmem_shared>> -> memref<640x128xf32, #tpu.memory_space<vmem_shared>>
      tpu.enqueue_dma source(%arg4 : memref<640x128xf32, #tpu.memory_space<hbm>>) target(%dma_start3A_120 : memref<640x128xf32, #tpu.memory_space<vmem_shared>>) target_semaphore(%run_scoped3A_118 : memref<!tpu.dma_semaphore, #tpu.memory_space<semaphore_mem>>)
      %dma_wait3A_121 = arith.constant 0 : i32
      %dma_wait3A_122 = tpu.memref_slice %arg8[%mul3A_0, %dma_wait3A_121] : memref<10240x128xf32, #tpu.memory_space<vmem_shared>> -> memref<640x128xf32, #tpu.memory_space<vmem_shared>>
      tpu.wait_dma2 semaphore(%run_scoped3A_118 : memref<!tpu.dma_semaphore, #tpu.memory_space<semaphore_mem>>) src(%arg4 : memref<640x128xf32, #tpu.memory_space<hbm>>) dst(%dma_wait3A_122 : memref<640x128xf32, #tpu.memory_space<vmem_shared>>)
      tpu.yield
    }) : () -> ()
    %mul3A_1 = arith.constant 40 : i32
    %mul3A_2 = arith.muli %arg0, %mul3A_1 : i32
    %add3A = arith.constant 0 : i32
    %add3A_3 = arith.addi %mul3A_2, %add3A : i32
    %dma_start3A = arith.constant 0 : i32
    %dma_start3A_4 = arith.constant 0 : i32
    %dma_start3A_5 = arith.constant 0 : i32
    %dma_start3A_6 = arith.constant 0 : i32
    %dma_start3A_7 = tpu.memref_slice %arg6[%dma_start3A_4, %dma_start3A_5, %dma_start3A_6] : memref<4x2x128xi32, #tpu.memory_space<vmem>> -> memref<1x2x128xi32, #tpu.memory_space<vmem>>
    %dma_start3A_8 = tpu.memref_squeeze %dma_start3A_7 : memref<1x2x128xi32, #tpu.memory_space<vmem>> -> memref<2x128xi32, #tpu.memory_space<vmem>>
    %dma_start3A_9 = arith.constant 0 : i32
    %dma_start3A_10 = arith.constant 0 : i32
    %dma_start3A_11 = tpu.memref_slice %arg3[%dma_start3A, %arg1, %add3A_3, %dma_start3A_9, %dma_start3A_10] : memref<1x16x80x2x128xi32, #tpu.memory_space<hbm>> -> memref<1x1x1x2x128xi32, #tpu.memory_space<hbm>>
    %dma_start3A_12 = tpu.memref_squeeze %dma_start3A_11 : memref<1x1x1x2x128xi32, #tpu.memory_space<hbm>> -> memref<2x128xi32, #tpu.memory_space<hbm>>
    %dma_start3A_13 = arith.constant 0 : i32
    %dma_start3A_14 = arith.constant 0 : i32
    %dma_start3A_15 = tpu.memref_slice %arg6[%dma_start3A_4, %dma_start3A_13, %dma_start3A_14] : memref<4x2x128xi32, #tpu.memory_space<vmem>> -> memref<1x2x128xi32, #tpu.memory_space<vmem>>
    %dma_start3A_16 = tpu.memref_squeeze %dma_start3A_15 : memref<1x2x128xi32, #tpu.memory_space<vmem>> -> memref<2x128xi32, #tpu.memory_space<vmem>>
    %dma_start3A_17 = arith.constant 0 : i32
    %dma_start3A_18 = arith.constant 0 : i32
    %dma_start3A_19 = tpu.memref_slice %arg3[%dma_start3A, %arg1, %add3A_3, %dma_start3A_17, %dma_start3A_18] : memref<1x16x80x2x128xi32, #tpu.memory_space<hbm>> -> memref<1x1x1x2x128xi32, #tpu.memory_space<hbm>>
    %dma_start3A_20 = tpu.memref_squeeze %dma_start3A_19 : memref<1x1x1x2x128xi32, #tpu.memory_space<hbm>> -> memref<2x128xi32, #tpu.memory_space<hbm>>
    tpu.enqueue_dma source(%dma_start3A_20 : memref<2x128xi32, #tpu.memory_space<hbm>>) target(%dma_start3A_16 : memref<2x128xi32, #tpu.memory_space<vmem>>) target_semaphore(%arg10 : memref<!tpu.dma_semaphore, #tpu.memory_space<semaphore_mem>>)
    %dma_wait3A = arith.constant 0 : i32
    %dma_wait3A_21 = arith.constant 0 : i32
    %dma_wait3A_22 = arith.constant 0 : i32
    %dma_wait3A_23 = arith.constant 0 : i32
    %dma_wait3A_24 = arith.constant 0 : i32
    %dma_wait3A_25 = tpu.memref_slice %arg6[%dma_wait3A_22, %dma_wait3A_23, %dma_wait3A_24] : memref<4x2x128xi32, #tpu.memory_space<vmem>> -> memref<1x2x128xi32, #tpu.memory_space<vmem>>
    %dma_wait3A_26 = tpu.memref_squeeze %dma_wait3A_25 : memref<1x2x128xi32, #tpu.memory_space<vmem>> -> memref<2x128xi32, #tpu.memory_space<vmem>>
    %dma_wait3A_27 = arith.constant 0 : i32
    %dma_wait3A_28 = tpu.memref_slice %arg6[%dma_wait3A, %dma_wait3A_21, %dma_wait3A_27] : memref<4x2x128xi32, #tpu.memory_space<vmem>> -> memref<1x1x128xi32, #tpu.memory_space<vmem>>
    %dma_wait3A_29 = tpu.memref_squeeze %dma_wait3A_28 : memref<1x1x128xi32, #tpu.memory_space<vmem>> -> memref<128xi32, #tpu.memory_space<vmem>>
    %dma_wait3A_30 = arith.constant 0 : i32
    %dma_wait3A_31 = arith.constant 0 : i32
    %dma_wait3A_32 = tpu.memref_slice %arg2[%dma_wait3A_30, %dma_wait3A_31] : memref<10000x128xf32, #tpu.memory_space<hbm>> -> memref<10000x128xf32, #tpu.memory_space<hbm>>
    tpu.wait_indirect_dma semaphore(%arg10 : memref<!tpu.dma_semaphore, #tpu.memory_space<semaphore_mem>>) src(%dma_wait3A_32 : memref<10000x128xf32, #tpu.memory_space<hbm>>) dst(%dma_wait3A_26 : memref<2x128xi32, #tpu.memory_space<vmem>>)
    %min3A = arith.constant 1 : i32
    %min3A_33 = arith.constant 39 : i32
    %min3A_34 = arith.minsi %min3A, %min3A_33 : i32
    %mul3A_35 = arith.constant 40 : i32
    %mul3A_36 = arith.muli %arg0, %mul3A_35 : i32
    %add3A_37 = arith.addi %mul3A_36, %min3A_34 : i32
    %dma_start3A_38 = arith.constant 0 : i32
    %dma_start3A_39 = arith.constant 1 : i32
    %dma_start3A_40 = arith.constant 0 : i32
    %dma_start3A_41 = arith.constant 0 : i32
    %dma_start3A_42 = tpu.memref_slice %arg6[%dma_start3A_39, %dma_start3A_40, %dma_start3A_41] : memref<4x2x128xi32, #tpu.memory_space<vmem>> -> memref<1x2x128xi32, #tpu.memory_space<vmem>>
    %dma_start3A_43 = tpu.memref_squeeze %dma_start3A_42 : memref<1x2x128xi32, #tpu.memory_space<vmem>> -> memref<2x128xi32, #tpu.memory_space<vmem>>
    %dma_start3A_44 = arith.constant 0 : i32
    %dma_start3A_45 = arith.constant 0 : i32
    %dma_start3A_46 = tpu.memref_slice %arg3[%dma_start3A_38, %arg1, %add3A_37, %dma_start3A_44, %dma_start3A_45] : memref<1x16x80x2x128xi32, #tpu.memory_space<hbm>> -> memref<1x1x1x2x128xi32, #tpu.memory_space<hbm>>
    %dma_start3A_47 = tpu.memref_squeeze %dma_start3A_46 : memref<1x1x1x2x128xi32, #tpu.memory_space<hbm>> -> memref<2x128xi32, #tpu.memory_space<hbm>>
    %dma_start3A_48 = arith.constant 0 : i32
    %dma_start3A_49 = arith.constant 0 : i32
    %dma_start3A_50 = tpu.memref_slice %arg6[%dma_start3A_39, %dma_start3A_48, %dma_start3A_49] : memref<4x2x128xi32, #tpu.memory_space<vmem>> -> memref<1x2x128xi32, #tpu.memory_space<vmem>>
    %dma_start3A_51 = tpu.memref_squeeze %dma_start3A_50 : memref<1x2x128xi32, #tpu.memory_space<vmem>> -> memref<2x128xi32, #tpu.memory_space<vmem>>
    %dma_start3A_52 = arith.constant 0 : i32
    %dma_start3A_53 = arith.constant 0 : i32
    %dma_start3A_54 = tpu.memref_slice %arg3[%dma_start3A_38, %arg1, %add3A_37, %dma_start3A_52, %dma_start3A_53] : memref<1x16x80x2x128xi32, #tpu.memory_space<hbm>> -> memref<1x1x1x2x128xi32, #tpu.memory_space<hbm>>
    %dma_start3A_55 = tpu.memref_squeeze %dma_start3A_54 : memref<1x1x1x2x128xi32, #tpu.memory_space<hbm>> -> memref<2x128xi32, #tpu.memory_space<hbm>>
    tpu.enqueue_dma source(%dma_start3A_55 : memref<2x128xi32, #tpu.memory_space<hbm>>) target(%dma_start3A_51 : memref<2x128xi32, #tpu.memory_space<vmem>>) target_semaphore(%arg10 : memref<!tpu.dma_semaphore, #tpu.memory_space<semaphore_mem>>)
    %barrier3A = arith.constant 0 : index
    tpu.barrier barrier_id(%barrier3A)
    %dma_start3A_56 = arith.constant 0 : i32
    %dma_start3A_57 = arith.constant 0 : i32
    %dma_start3A_58 = arith.constant 0 : i32
    %dma_start3A_59 = arith.constant 0 : i32
    %dma_start3A_60 = arith.constant 0 : i32
    %dma_start3A_61 = tpu.memref_slice %arg7[%dma_start3A_58, %dma_start3A_59, %dma_start3A_60] : memref<2x128x128xf32, #tpu.memory_space<vmem>> -> memref<1x128x128xf32, #tpu.memory_space<vmem>>
    %dma_start3A_62 = tpu.memref_squeeze %dma_start3A_61 : memref<1x128x128xf32, #tpu.memory_space<vmem>> -> memref<128x128xf32, #tpu.memory_space<vmem>>
    %dma_start3A_63 = arith.constant 0 : i32
    %dma_start3A_64 = tpu.memref_slice %arg6[%dma_start3A_56, %dma_start3A_57, %dma_start3A_63] : memref<4x2x128xi32, #tpu.memory_space<vmem>> -> memref<1x1x128xi32, #tpu.memory_space<vmem>>
    %dma_start3A_65 = tpu.memref_squeeze %dma_start3A_64 : memref<1x1x128xi32, #tpu.memory_space<vmem>> -> memref<128xi32, #tpu.memory_space<vmem>>
    %dma_start3A_66 = arith.constant 0 : i32
    %dma_start3A_67 = arith.constant 0 : i32
    %dma_start3A_68 = tpu.memref_slice %arg2[%dma_start3A_66, %dma_start3A_67] : memref<10000x128xf32, #tpu.memory_space<hbm>> -> memref<10000x128xf32, #tpu.memory_space<hbm>>
    tpu.enqueue_indirect_dma source(%dma_start3A_68 : memref<10000x128xf32, #tpu.memory_space<hbm>>) target(%dma_start3A_62 : memref<128x128xf32, #tpu.memory_space<vmem>>) offsets(%dma_start3A_65 : memref<128xi32, #tpu.memory_space<vmem>>) semaphore(%arg9 : memref<!tpu.dma_semaphore, #tpu.memory_space<semaphore_mem>>)
    %scan3A = arith.constant 0 : i32
    %scan3A_69 = arith.constant 0 : i32
    %scan3A_70 = arith.constant 40 : i32
    %scan3A_71 = arith.addi %scan3A_69, %scan3A_70 : i32
    %scan3A_72 = arith.constant 1 : i32
    scf.for %scan3A_118 = %scan3A_69 to %scan3A_71 step %scan3A_72  : i32 {
      %rem3A = arith.constant 2 : i32
      %rem3A_119 = arith.remsi %scan3A_118, %rem3A : i32
      %sub3A = arith.constant 1 : i32
      %sub3A_120 = arith.subi %sub3A, %rem3A_119 : i32
      %rem3A_121 = arith.constant 4 : i32
      %rem3A_122 = arith.remsi %scan3A_118, %rem3A_121 : i32
      %add3A_123 = arith.constant 1 : i32
      %add3A_124 = arith.addi %scan3A_118, %add3A_123 : i32
      %rem3A_125 = arith.constant 4 : i32
      %rem3A_126 = arith.remsi %add3A_124, %rem3A_125 : i32
      %dma_wait3A_127 = arith.constant 0 : i32
      %dma_wait3A_128 = arith.constant 0 : i32
      %dma_wait3A_129 = arith.constant 0 : i32
      %dma_wait3A_130 = arith.constant 0 : i32
      %dma_wait3A_131 = arith.constant 0 : i32
      %dma_wait3A_132 = tpu.memref_slice %arg6[%dma_wait3A_129, %dma_wait3A_130, %dma_wait3A_131] : memref<4x2x128xi32, #tpu.memory_space<vmem>> -> memref<1x2x128xi32, #tpu.memory_space<vmem>>
      %dma_wait3A_133 = tpu.memref_squeeze %dma_wait3A_132 : memref<1x2x128xi32, #tpu.memory_space<vmem>> -> memref<2x128xi32, #tpu.memory_space<vmem>>
      %dma_wait3A_134 = arith.constant 0 : i32
      %dma_wait3A_135 = tpu.memref_slice %arg6[%dma_wait3A_127, %dma_wait3A_128, %dma_wait3A_134] : memref<4x2x128xi32, #tpu.memory_space<vmem>> -> memref<1x1x128xi32, #tpu.memory_space<vmem>>
      %dma_wait3A_136 = tpu.memref_squeeze %dma_wait3A_135 : memref<1x1x128xi32, #tpu.memory_space<vmem>> -> memref<128xi32, #tpu.memory_space<vmem>>
      %dma_wait3A_137 = arith.constant 0 : i32
      %dma_wait3A_138 = arith.constant 0 : i32
      %dma_wait3A_139 = tpu.memref_slice %arg2[%dma_wait3A_137, %dma_wait3A_138] : memref<10000x128xf32, #tpu.memory_space<hbm>> -> memref<10000x128xf32, #tpu.memory_space<hbm>>
      tpu.wait_indirect_dma semaphore(%arg10 : memref<!tpu.dma_semaphore, #tpu.memory_space<semaphore_mem>>) src(%dma_wait3A_139 : memref<10000x128xf32, #tpu.memory_space<hbm>>) dst(%dma_wait3A_133 : memref<2x128xi32, #tpu.memory_space<vmem>>)
      %ge3A = arith.constant 1 : i32
      %ge3A_140 = arith.cmpi sge, %scan3A_118, %ge3A : i32
      %convert_element_type3A = arith.extui %ge3A_140 : i1 to i32
      %cond3A = arith.constant 0 : i32
      %cond3A_141 = arith.cmpi ne, %convert_element_type3A, %cond3A : i32
      scf.if %cond3A_141 {
        %dma_wait3A_205 = arith.constant 0 : i32
        %dma_wait3A_206 = arith.constant 0 : i32
        %dma_wait3A_207 = arith.constant 1 : i32
        %dma_wait3A_208 = arith.constant 0 : i32
        %dma_wait3A_209 = arith.constant 0 : i32
        %dma_wait3A_210 = tpu.memref_slice %arg7[%dma_wait3A_205, %dma_wait3A_208, %dma_wait3A_209] : memref<2x128x128xf32, #tpu.memory_space<vmem>> -> memref<1x128x128xf32, #tpu.memory_space<vmem>>
        %dma_wait3A_211 = tpu.memref_squeeze %dma_wait3A_210 : memref<1x128x128xf32, #tpu.memory_space<vmem>> -> memref<128x128xf32, #tpu.memory_space<vmem>>
        %dma_wait3A_212 = arith.constant 0 : i32
        %dma_wait3A_213 = tpu.memref_slice %arg6[%dma_wait3A_206, %dma_wait3A_207, %dma_wait3A_212] : memref<4x2x128xi32, #tpu.memory_space<vmem>> -> memref<1x1x128xi32, #tpu.memory_space<vmem>>
        %dma_wait3A_214 = tpu.memref_squeeze %dma_wait3A_213 : memref<1x1x128xi32, #tpu.memory_space<vmem>> -> memref<128xi32, #tpu.memory_space<vmem>>
        %dma_wait3A_215 = arith.constant 0 : i32
        %dma_wait3A_216 = arith.constant 0 : i32
        %dma_wait3A_217 = tpu.memref_slice %arg8[%dma_wait3A_215, %dma_wait3A_216] : memref<10240x128xf32, #tpu.memory_space<vmem_shared>> -> memref<10240x128xf32, #tpu.memory_space<vmem_shared>>
        tpu.wait_indirect_dma semaphore(%arg11 : memref<!tpu.dma_semaphore, #tpu.memory_space<semaphore_mem>>) src(%dma_wait3A_211 : memref<128x128xf32, #tpu.memory_space<vmem>>) dst(%dma_wait3A_217 : memref<10240x128xf32, #tpu.memory_space<vmem_shared>>)
      } else {
      }
      %dma_start3A_142 = arith.constant 0 : i32
      %dma_start3A_143 = arith.constant 0 : i32
      %dma_start3A_144 = arith.constant 0 : i32
      %dma_start3A_145 = tpu.memref_slice %arg7[%sub3A_120, %dma_start3A_143, %dma_start3A_144] : memref<2x128x128xf32, #tpu.memory_space<vmem>> -> memref<1x128x128xf32, #tpu.memory_space<vmem>>
      %dma_start3A_146 = tpu.memref_squeeze %dma_start3A_145 : memref<1x128x128xf32, #tpu.memory_space<vmem>> -> memref<128x128xf32, #tpu.memory_space<vmem>>
      %dma_start3A_147 = arith.constant 0 : i32
      %dma_start3A_148 = tpu.memref_slice %arg6[%rem3A_126, %dma_start3A_142, %dma_start3A_147] : memref<4x2x128xi32, #tpu.memory_space<vmem>> -> memref<1x1x128xi32, #tpu.memory_space<vmem>>
      %dma_start3A_149 = tpu.memref_squeeze %dma_start3A_148 : memref<1x1x128xi32, #tpu.memory_space<vmem>> -> memref<128xi32, #tpu.memory_space<vmem>>
      %dma_start3A_150 = arith.constant 0 : i32
      %dma_start3A_151 = arith.constant 0 : i32
      %dma_start3A_152 = tpu.memref_slice %arg2[%dma_start3A_150, %dma_start3A_151] : memref<10000x128xf32, #tpu.memory_space<hbm>> -> memref<10000x128xf32, #tpu.memory_space<hbm>>
      tpu.enqueue_indirect_dma source(%dma_start3A_152 : memref<10000x128xf32, #tpu.memory_space<hbm>>) target(%dma_start3A_146 : memref<128x128xf32, #tpu.memory_space<vmem>>) offsets(%dma_start3A_149 : memref<128xi32, #tpu.memory_space<vmem>>) semaphore(%arg9 : memref<!tpu.dma_semaphore, #tpu.memory_space<semaphore_mem>>)
      %dma_wait3A_153 = arith.constant 0 : i32
      %dma_wait3A_154 = arith.constant 0 : i32
      %dma_wait3A_155 = arith.constant 0 : i32
      %dma_wait3A_156 = arith.constant 0 : i32
      %dma_wait3A_157 = arith.constant 0 : i32
      %dma_wait3A_158 = tpu.memref_slice %arg7[%dma_wait3A_155, %dma_wait3A_156, %dma_wait3A_157] : memref<2x128x128xf32, #tpu.memory_space<vmem>> -> memref<1x128x128xf32, #tpu.memory_space<vmem>>
      %dma_wait3A_159 = tpu.memref_squeeze %dma_wait3A_158 : memref<1x128x128xf32, #tpu.memory_space<vmem>> -> memref<128x128xf32, #tpu.memory_space<vmem>>
      %dma_wait3A_160 = arith.constant 0 : i32
      %dma_wait3A_161 = tpu.memref_slice %arg6[%dma_wait3A_153, %dma_wait3A_154, %dma_wait3A_160] : memref<4x2x128xi32, #tpu.memory_space<vmem>> -> memref<1x1x128xi32, #tpu.memory_space<vmem>>
      %dma_wait3A_162 = tpu.memref_squeeze %dma_wait3A_161 : memref<1x1x128xi32, #tpu.memory_space<vmem>> -> memref<128xi32, #tpu.memory_space<vmem>>
      %dma_wait3A_163 = arith.constant 0 : i32
      %dma_wait3A_164 = arith.constant 0 : i32
      %dma_wait3A_165 = tpu.memref_slice %arg2[%dma_wait3A_163, %dma_wait3A_164] : memref<10000x128xf32, #tpu.memory_space<hbm>> -> memref<10000x128xf32, #tpu.memory_space<hbm>>
      tpu.wait_indirect_dma semaphore(%arg9 : memref<!tpu.dma_semaphore, #tpu.memory_space<semaphore_mem>>) src(%dma_wait3A_165 : memref<10000x128xf32, #tpu.memory_space<hbm>>) dst(%dma_wait3A_159 : memref<128x128xf32, #tpu.memory_space<vmem>>)
      %dma_start3A_166 = arith.constant 1 : i32
      %dma_start3A_167 = arith.constant 0 : i32
      %dma_start3A_168 = arith.constant 0 : i32
      %dma_start3A_169 = tpu.memref_slice %arg7[%rem3A_119, %dma_start3A_167, %dma_start3A_168] : memref<2x128x128xf32, #tpu.memory_space<vmem>> -> memref<1x128x128xf32, #tpu.memory_space<vmem>>
      %dma_start3A_170 = tpu.memref_squeeze %dma_start3A_169 : memref<1x128x128xf32, #tpu.memory_space<vmem>> -> memref<128x128xf32, #tpu.memory_space<vmem>>
      %dma_start3A_171 = arith.constant 0 : i32
      %dma_start3A_172 = tpu.memref_slice %arg6[%rem3A_122, %dma_start3A_166, %dma_start3A_171] : memref<4x2x128xi32, #tpu.memory_space<vmem>> -> memref<1x1x128xi32, #tpu.memory_space<vmem>>
      %dma_start3A_173 = tpu.memref_squeeze %dma_start3A_172 : memref<1x1x128xi32, #tpu.memory_space<vmem>> -> memref<128xi32, #tpu.memory_space<vmem>>
      %dma_start3A_174 = arith.constant 0 : i32
      %dma_start3A_175 = arith.constant 0 : i32
      %dma_start3A_176 = tpu.memref_slice %arg8[%dma_start3A_174, %dma_start3A_175] : memref<10240x128xf32, #tpu.memory_space<vmem_shared>> -> memref<10240x128xf32, #tpu.memory_space<vmem_shared>>
      tpu.enqueue_indirect_dma source(%dma_start3A_170 : memref<128x128xf32, #tpu.memory_space<vmem>>) target(%dma_start3A_176 : memref<10240x128xf32, #tpu.memory_space<vmem_shared>>) offsets(%dma_start3A_173 : memref<128xi32, #tpu.memory_space<vmem>>) semaphore(%arg11 : memref<!tpu.dma_semaphore, #tpu.memory_space<semaphore_mem>>) {add = true}
      %add3A_177 = arith.constant 2 : i32
      %add3A_178 = arith.addi %scan3A_118, %add3A_177 : i32
      %min3A_179 = arith.constant 39 : i32
      %min3A_180 = arith.minsi %add3A_178, %min3A_179 : i32
      %add3A_181 = arith.constant 2 : i32
      %add3A_182 = arith.addi %scan3A_118, %add3A_181 : i32
      %rem3A_183 = arith.constant 4 : i32
      %rem3A_184 = arith.remsi %add3A_182, %rem3A_183 : i32
      %mul3A_185 = arith.constant 40 : i32
      %mul3A_186 = arith.muli %arg0, %mul3A_185 : i32
      %add3A_187 = arith.addi %mul3A_186, %min3A_180 : i32
      %dma_start3A_188 = arith.constant 0 : i32
      %dma_start3A_189 = arith.constant 0 : i32
      %dma_start3A_190 = arith.constant 0 : i32
      %dma_start3A_191 = tpu.memref_slice %arg6[%rem3A_184, %dma_start3A_189, %dma_start3A_190] : memref<4x2x128xi32, #tpu.memory_space<vmem>> -> memref<1x2x128xi32, #tpu.memory_space<vmem>>
      %dma_start3A_192 = tpu.memref_squeeze %dma_start3A_191 : memref<1x2x128xi32, #tpu.memory_space<vmem>> -> memref<2x128xi32, #tpu.memory_space<vmem>>
      %dma_start3A_193 = arith.constant 0 : i32
      %dma_start3A_194 = arith.constant 0 : i32
      %dma_start3A_195 = tpu.memref_slice %arg3[%dma_start3A_188, %arg1, %add3A_187, %dma_start3A_193, %dma_start3A_194] : memref<1x16x80x2x128xi32, #tpu.memory_space<hbm>> -> memref<1x1x1x2x128xi32, #tpu.memory_space<hbm>>
      %dma_start3A_196 = tpu.memref_squeeze %dma_start3A_195 : memref<1x1x1x2x128xi32, #tpu.memory_space<hbm>> -> memref<2x128xi32, #tpu.memory_space<hbm>>
      %dma_start3A_197 = arith.constant 0 : i32
      %dma_start3A_198 = arith.constant 0 : i32
      %dma_start3A_199 = tpu.memref_slice %arg6[%rem3A_184, %dma_start3A_197, %dma_start3A_198] : memref<4x2x128xi32, #tpu.memory_space<vmem>> -> memref<1x2x128xi32, #tpu.memory_space<vmem>>
      %dma_start3A_200 = tpu.memref_squeeze %dma_start3A_199 : memref<1x2x128xi32, #tpu.memory_space<vmem>> -> memref<2x128xi32, #tpu.memory_space<vmem>>
      %dma_start3A_201 = arith.constant 0 : i32
      %dma_start3A_202 = arith.constant 0 : i32
      %dma_start3A_203 = tpu.memref_slice %arg3[%dma_start3A_188, %arg1, %add3A_187, %dma_start3A_201, %dma_start3A_202] : memref<1x16x80x2x128xi32, #tpu.memory_space<hbm>> -> memref<1x1x1x2x128xi32, #tpu.memory_space<hbm>>
      %dma_start3A_204 = tpu.memref_squeeze %dma_start3A_203 : memref<1x1x1x2x128xi32, #tpu.memory_space<hbm>> -> memref<2x128xi32, #tpu.memory_space<hbm>>
      tpu.enqueue_dma source(%dma_start3A_204 : memref<2x128xi32, #tpu.memory_space<hbm>>) target(%dma_start3A_200 : memref<2x128xi32, #tpu.memory_space<vmem>>) target_semaphore(%arg10 : memref<!tpu.dma_semaphore, #tpu.memory_space<semaphore_mem>>)
    }
    %scan3A_73 = arith.constant 40 : i32
    %dma_wait3A_74 = arith.constant 0 : i32
    %dma_wait3A_75 = arith.constant 0 : i32
    %dma_wait3A_76 = arith.constant 0 : i32
    %dma_wait3A_77 = arith.constant 0 : i32
    %dma_wait3A_78 = arith.constant 0 : i32
    %dma_wait3A_79 = tpu.memref_slice %arg6[%dma_wait3A_76, %dma_wait3A_77, %dma_wait3A_78] : memref<4x2x128xi32, #tpu.memory_space<vmem>> -> memref<1x2x128xi32, #tpu.memory_space<vmem>>
    %dma_wait3A_80 = tpu.memref_squeeze %dma_wait3A_79 : memref<1x2x128xi32, #tpu.memory_space<vmem>> -> memref<2x128xi32, #tpu.memory_space<vmem>>
    %dma_wait3A_81 = arith.constant 0 : i32
    %dma_wait3A_82 = tpu.memref_slice %arg6[%dma_wait3A_74, %dma_wait3A_75, %dma_wait3A_81] : memref<4x2x128xi32, #tpu.memory_space<vmem>> -> memref<1x1x128xi32, #tpu.memory_space<vmem>>
    %dma_wait3A_83 = tpu.memref_squeeze %dma_wait3A_82 : memref<1x1x128xi32, #tpu.memory_space<vmem>> -> memref<128xi32, #tpu.memory_space<vmem>>
    %dma_wait3A_84 = arith.constant 0 : i32
    %dma_wait3A_85 = arith.constant 0 : i32
    %dma_wait3A_86 = tpu.memref_slice %arg2[%dma_wait3A_84, %dma_wait3A_85] : memref<10000x128xf32, #tpu.memory_space<hbm>> -> memref<10000x128xf32, #tpu.memory_space<hbm>>
    tpu.wait_indirect_dma semaphore(%arg10 : memref<!tpu.dma_semaphore, #tpu.memory_space<semaphore_mem>>) src(%dma_wait3A_86 : memref<10000x128xf32, #tpu.memory_space<hbm>>) dst(%dma_wait3A_80 : memref<2x128xi32, #tpu.memory_space<vmem>>)
    %dma_wait3A_87 = arith.constant 0 : i32
    %dma_wait3A_88 = arith.constant 0 : i32
    %dma_wait3A_89 = arith.constant 0 : i32
    %dma_wait3A_90 = arith.constant 0 : i32
    %dma_wait3A_91 = arith.constant 0 : i32
    %dma_wait3A_92 = tpu.memref_slice %arg7[%dma_wait3A_89, %dma_wait3A_90, %dma_wait3A_91] : memref<2x128x128xf32, #tpu.memory_space<vmem>> -> memref<1x128x128xf32, #tpu.memory_space<vmem>>
    %dma_wait3A_93 = tpu.memref_squeeze %dma_wait3A_92 : memref<1x128x128xf32, #tpu.memory_space<vmem>> -> memref<128x128xf32, #tpu.memory_space<vmem>>
    %dma_wait3A_94 = arith.constant 0 : i32
    %dma_wait3A_95 = tpu.memref_slice %arg6[%dma_wait3A_87, %dma_wait3A_88, %dma_wait3A_94] : memref<4x2x128xi32, #tpu.memory_space<vmem>> -> memref<1x1x128xi32, #tpu.memory_space<vmem>>
    %dma_wait3A_96 = tpu.memref_squeeze %dma_wait3A_95 : memref<1x1x128xi32, #tpu.memory_space<vmem>> -> memref<128xi32, #tpu.memory_space<vmem>>
    %dma_wait3A_97 = arith.constant 0 : i32
    %dma_wait3A_98 = arith.constant 0 : i32
    %dma_wait3A_99 = tpu.memref_slice %arg2[%dma_wait3A_97, %dma_wait3A_98] : memref<10000x128xf32, #tpu.memory_space<hbm>> -> memref<10000x128xf32, #tpu.memory_space<hbm>>
    tpu.wait_indirect_dma semaphore(%arg9 : memref<!tpu.dma_semaphore, #tpu.memory_space<semaphore_mem>>) src(%dma_wait3A_99 : memref<10000x128xf32, #tpu.memory_space<hbm>>) dst(%dma_wait3A_93 : memref<128x128xf32, #tpu.memory_space<vmem>>)
    %dma_wait3A_100 = arith.constant 0 : i32
    %dma_wait3A_101 = arith.constant 0 : i32
    %dma_wait3A_102 = arith.constant 1 : i32
    %dma_wait3A_103 = arith.constant 0 : i32
    %dma_wait3A_104 = arith.constant 0 : i32
    %dma_wait3A_105 = tpu.memref_slice %arg7[%dma_wait3A_100, %dma_wait3A_103, %dma_wait3A_104] : memref<2x128x128xf32, #tpu.memory_space<vmem>> -> memref<1x128x128xf32, #tpu.memory_space<vmem>>
    %dma_wait3A_106 = tpu.memref_squeeze %dma_wait3A_105 : memref<1x128x128xf32, #tpu.memory_space<vmem>> -> memref<128x128xf32, #tpu.memory_space<vmem>>
    %dma_wait3A_107 = arith.constant 0 : i32
    %dma_wait3A_108 = tpu.memref_slice %arg6[%dma_wait3A_101, %dma_wait3A_102, %dma_wait3A_107] : memref<4x2x128xi32, #tpu.memory_space<vmem>> -> memref<1x1x128xi32, #tpu.memory_space<vmem>>
    %dma_wait3A_109 = tpu.memref_squeeze %dma_wait3A_108 : memref<1x1x128xi32, #tpu.memory_space<vmem>> -> memref<128xi32, #tpu.memory_space<vmem>>
    %dma_wait3A_110 = arith.constant 0 : i32
    %dma_wait3A_111 = arith.constant 0 : i32
    %dma_wait3A_112 = tpu.memref_slice %arg8[%dma_wait3A_110, %dma_wait3A_111] : memref<10240x128xf32, #tpu.memory_space<vmem_shared>> -> memref<10240x128xf32, #tpu.memory_space<vmem_shared>>
    tpu.wait_indirect_dma semaphore(%arg11 : memref<!tpu.dma_semaphore, #tpu.memory_space<semaphore_mem>>) src(%dma_wait3A_106 : memref<128x128xf32, #tpu.memory_space<vmem>>) dst(%dma_wait3A_112 : memref<10240x128xf32, #tpu.memory_space<vmem_shared>>)
    %barrier3A_113 = arith.constant 0 : index
    tpu.barrier barrier_id(%barrier3A_113)
    %mul3A_114 = arith.constant 640 : i32
    %mul3A_115 = arith.muli %arg1, %mul3A_114 : i32
    %mul3A_116 = arith.constant 640 : i32
    %mul3A_117 = arith.muli %arg1, %mul3A_116 : i32
    %run_scoped3A = arith.constant 0 : i32
    "tpu.region"() ({
      %run_scoped3A_118 = tpu.sem_alloc : memref<!tpu.dma_semaphore, #tpu.memory_space<semaphore_mem>>
      %dma_start3A_119 = arith.constant 0 : i32
      %dma_start3A_120 = tpu.memref_slice %arg5[%run_scoped3A, %arg0, %mul3A_117, %dma_start3A_119] : memref<1x2x10240x128xf32, #tpu.memory_space<hbm>> -> memref<1x1x640x128xf32, #tpu.memory_space<hbm>>
      %dma_start3A_121 = tpu.memref_squeeze %dma_start3A_120 : memref<1x1x640x128xf32, #tpu.memory_space<hbm>> -> memref<640x128xf32, #tpu.memory_space<hbm>>
      %dma_start3A_122 = arith.constant 0 : i32
      %dma_start3A_123 = tpu.memref_slice %arg8[%mul3A_115, %dma_start3A_122] : memref<10240x128xf32, #tpu.memory_space<vmem_shared>> -> memref<640x128xf32, #tpu.memory_space<vmem_shared>>
      tpu.enqueue_dma source(%dma_start3A_123 : memref<640x128xf32, #tpu.memory_space<vmem_shared>>) target(%dma_start3A_121 : memref<640x128xf32, #tpu.memory_space<hbm>>) target_semaphore(%run_scoped3A_118 : memref<!tpu.dma_semaphore, #tpu.memory_space<semaphore_mem>>)
      %dma_wait3A_124 = arith.constant 0 : i32
      %dma_wait3A_125 = tpu.memref_slice %arg5[%run_scoped3A, %arg0, %mul3A_117, %dma_wait3A_124] : memref<1x2x10240x128xf32, #tpu.memory_space<hbm>> -> memref<1x1x640x128xf32, #tpu.memory_space<hbm>>
      %dma_wait3A_126 = tpu.memref_squeeze %dma_wait3A_125 : memref<1x1x640x128xf32, #tpu.memory_space<hbm>> -> memref<640x128xf32, #tpu.memory_space<hbm>>
      %dma_wait3A_127 = arith.constant 0 : i32
      %dma_wait3A_128 = tpu.memref_slice %arg8[%mul3A_115, %dma_wait3A_127] : memref<10240x128xf32, #tpu.memory_space<vmem_shared>> -> memref<640x128xf32, #tpu.memory_space<vmem_shared>>
      tpu.wait_dma2 semaphore(%run_scoped3A_118 : memref<!tpu.dma_semaphore, #tpu.memory_space<semaphore_mem>>) src(%dma_wait3A_128 : memref<640x128xf32, #tpu.memory_space<vmem_shared>>) dst(%dma_wait3A_126 : memref<640x128xf32, #tpu.memory_space<hbm>>)
      tpu.yield
    }) : () -> ()
    return
  }
}

#map = affine_map<(d0, d1) -> (0, 0, 0)>
#map1 = affine_map<(d0, d1) -> (0, 0)>
module attributes {stable_mosaic.version = 14 : i64} {
  func.func @deg_kernel(%arg0: i32, %arg1: i32, %arg2: memref<32x40x128xi32, #tpu.memory_space<hbm>>, %arg3: memref<128x128xf32, #tpu.memory_space<hbm>>, %arg4: memref<640x128xf32, #tpu.memory_space<hbm>>, %arg5: memref<2x10240x128xf32, #tpu.memory_space<hbm>>, %arg6: memref<40x128xi32, #tpu.memory_space<vmem>>, %arg7: memref<128x128xf32, #tpu.memory_space<vmem>>, %arg8: memref<10240x128xf32, #tpu.memory_space<vmem_shared>>, %arg9: memref<!tpu.dma_semaphore, #tpu.memory_space<semaphore_mem>>) attributes {dimension_semantics = [#tpu.dimension_semantics<core_parallel>, #tpu.dimension_semantics<subcore_parallel>], iteration_bounds = array<i64: 2, 16>, scalar_prefetch = 0 : i64, scratch_operands = 4 : i64, tpu.core_type = #tpu.core_type<sc_vector_subcore>, window_params = [{transform_indices = #map}, {transform_indices = #map1}, {transform_indices = #map1}, {transform_indices = #map}]} {
    %mul3A = arith.constant 16 : i32
    %mul3A_0 = arith.muli %arg0, %mul3A : i32
    %add3A = arith.addi %mul3A_0, %arg1 : i32
    "tpu.region"() ({
      %run_scoped3A = tpu.sem_alloc : memref<!tpu.dma_semaphore, #tpu.memory_space<semaphore_mem>>
      %dma_start3A = arith.constant 0 : i32
      %dma_start3A_33 = arith.constant 0 : i32
      %dma_start3A_34 = tpu.memref_slice %arg2[%add3A, %dma_start3A, %dma_start3A_33] : memref<32x40x128xi32, #tpu.memory_space<hbm>> -> memref<1x40x128xi32, #tpu.memory_space<hbm>>
      %dma_start3A_35 = tpu.memref_squeeze %dma_start3A_34 : memref<1x40x128xi32, #tpu.memory_space<hbm>> -> memref<40x128xi32, #tpu.memory_space<hbm>>
      %dma_start3A_36 = arith.constant 0 : i32
      %dma_start3A_37 = arith.constant 0 : i32
      %dma_start3A_38 = tpu.memref_slice %arg2[%add3A, %dma_start3A_36, %dma_start3A_37] : memref<32x40x128xi32, #tpu.memory_space<hbm>> -> memref<1x40x128xi32, #tpu.memory_space<hbm>>
      %dma_start3A_39 = tpu.memref_squeeze %dma_start3A_38 : memref<1x40x128xi32, #tpu.memory_space<hbm>> -> memref<40x128xi32, #tpu.memory_space<hbm>>
      tpu.enqueue_dma source(%dma_start3A_39 : memref<40x128xi32, #tpu.memory_space<hbm>>) target(%arg6 : memref<40x128xi32, #tpu.memory_space<vmem>>) target_semaphore(%run_scoped3A : memref<!tpu.dma_semaphore, #tpu.memory_space<semaphore_mem>>)
      %dma_wait3A_40 = arith.constant 0 : i32
      %dma_wait3A_41 = arith.constant 0 : i32
      %dma_wait3A_42 = tpu.memref_slice %arg2[%add3A, %dma_wait3A_40, %dma_wait3A_41] : memref<32x40x128xi32, #tpu.memory_space<hbm>> -> memref<1x40x128xi32, #tpu.memory_space<hbm>>
      %dma_wait3A_43 = tpu.memref_squeeze %dma_wait3A_42 : memref<1x40x128xi32, #tpu.memory_space<hbm>> -> memref<40x128xi32, #tpu.memory_space<hbm>>
      %dma_wait3A_44 = arith.constant 0 : i32
      %dma_wait3A_45 = arith.constant 0 : i32
      %dma_wait3A_46 = tpu.memref_slice %arg2[%add3A, %dma_wait3A_44, %dma_wait3A_45] : memref<32x40x128xi32, #tpu.memory_space<hbm>> -> memref<1x40x128xi32, #tpu.memory_space<hbm>>
      %dma_wait3A_47 = tpu.memref_squeeze %dma_wait3A_46 : memref<1x40x128xi32, #tpu.memory_space<hbm>> -> memref<40x128xi32, #tpu.memory_space<hbm>>
      tpu.wait_dma2 semaphore(%run_scoped3A : memref<!tpu.dma_semaphore, #tpu.memory_space<semaphore_mem>>) src(%dma_wait3A_47 : memref<40x128xi32, #tpu.memory_space<hbm>>) dst(%arg6 : memref<40x128xi32, #tpu.memory_space<vmem>>)
      tpu.yield
    }) : () -> ()
    "tpu.region"() ({
      %run_scoped3A = tpu.sem_alloc : memref<!tpu.dma_semaphore, #tpu.memory_space<semaphore_mem>>
      tpu.enqueue_dma source(%arg3 : memref<128x128xf32, #tpu.memory_space<hbm>>) target(%arg7 : memref<128x128xf32, #tpu.memory_space<vmem>>) target_semaphore(%run_scoped3A : memref<!tpu.dma_semaphore, #tpu.memory_space<semaphore_mem>>)
      tpu.wait_dma2 semaphore(%run_scoped3A : memref<!tpu.dma_semaphore, #tpu.memory_space<semaphore_mem>>) src(%arg3 : memref<128x128xf32, #tpu.memory_space<hbm>>) dst(%arg7 : memref<128x128xf32, #tpu.memory_space<vmem>>)
      tpu.yield
    }) : () -> ()
    %mul3A_1 = arith.constant 640 : i32
    %mul3A_2 = arith.muli %arg1, %mul3A_1 : i32
    "tpu.region"() ({
      %run_scoped3A = tpu.sem_alloc : memref<!tpu.dma_semaphore, #tpu.memory_space<semaphore_mem>>
      %dma_start3A = arith.constant 0 : i32
      %dma_start3A_33 = tpu.memref_slice %arg8[%mul3A_2, %dma_start3A] : memref<10240x128xf32, #tpu.memory_space<vmem_shared>> -> memref<640x128xf32, #tpu.memory_space<vmem_shared>>
      tpu.enqueue_dma source(%arg4 : memref<640x128xf32, #tpu.memory_space<hbm>>) target(%dma_start3A_33 : memref<640x128xf32, #tpu.memory_space<vmem_shared>>) target_semaphore(%run_scoped3A : memref<!tpu.dma_semaphore, #tpu.memory_space<semaphore_mem>>)
      %dma_wait3A_34 = arith.constant 0 : i32
      %dma_wait3A_35 = tpu.memref_slice %arg8[%mul3A_2, %dma_wait3A_34] : memref<10240x128xf32, #tpu.memory_space<vmem_shared>> -> memref<640x128xf32, #tpu.memory_space<vmem_shared>>
      tpu.wait_dma2 semaphore(%run_scoped3A : memref<!tpu.dma_semaphore, #tpu.memory_space<semaphore_mem>>) src(%arg4 : memref<640x128xf32, #tpu.memory_space<hbm>>) dst(%dma_wait3A_35 : memref<640x128xf32, #tpu.memory_space<vmem_shared>>)
      tpu.yield
    }) : () -> ()
    %barrier3A = arith.constant 0 : index
    tpu.barrier barrier_id(%barrier3A)
    %scan3A = arith.constant 0 : i32
    %scan3A_3 = arith.constant 0 : i32
    %scan3A_4 = arith.constant 40 : i32
    %scan3A_5 = arith.addi %scan3A_3, %scan3A_4 : i32
    %scan3A_6 = arith.constant 1 : i32
    scf.for %scan3A_33 = %scan3A_3 to %scan3A_5 step %scan3A_6  : i32 {
      %dma_start3A = arith.constant 0 : i32
      %dma_start3A_34 = tpu.memref_slice %arg6[%scan3A_33, %dma_start3A] : memref<40x128xi32, #tpu.memory_space<vmem>> -> memref<1x128xi32, #tpu.memory_space<vmem>>
      %dma_start3A_35 = tpu.memref_squeeze %dma_start3A_34 : memref<1x128xi32, #tpu.memory_space<vmem>> -> memref<128xi32, #tpu.memory_space<vmem>>
      %dma_start3A_36 = arith.constant 0 : i32
      %dma_start3A_37 = arith.constant 0 : i32
      %dma_start3A_38 = tpu.memref_slice %arg8[%dma_start3A_36, %dma_start3A_37] : memref<10240x128xf32, #tpu.memory_space<vmem_shared>> -> memref<10240x128xf32, #tpu.memory_space<vmem_shared>>
      tpu.enqueue_indirect_dma source(%arg7 : memref<128x128xf32, #tpu.memory_space<vmem>>) target(%dma_start3A_38 : memref<10240x128xf32, #tpu.memory_space<vmem_shared>>) offsets(%dma_start3A_35 : memref<128xi32, #tpu.memory_space<vmem>>) semaphore(%arg9 : memref<!tpu.dma_semaphore, #tpu.memory_space<semaphore_mem>>) {add = true}
      %ge3A = arith.constant 3 : i32
      %ge3A_39 = arith.cmpi sge, %scan3A_33, %ge3A : i32
      %convert_element_type3A = arith.extui %ge3A_39 : i1 to i32
      %cond3A = arith.constant 0 : i32
      %cond3A_40 = arith.cmpi ne, %convert_element_type3A, %cond3A : i32
      scf.if %cond3A_40 {
        %dma_wait3A_41 = arith.constant 0 : i32
        %dma_wait3A_42 = arith.constant 0 : i32
        %dma_wait3A_43 = tpu.memref_slice %arg6[%dma_wait3A_41, %dma_wait3A_42] : memref<40x128xi32, #tpu.memory_space<vmem>> -> memref<1x128xi32, #tpu.memory_space<vmem>>
        %dma_wait3A_44 = tpu.memref_squeeze %dma_wait3A_43 : memref<1x128xi32, #tpu.memory_space<vmem>> -> memref<128xi32, #tpu.memory_space<vmem>>
        %dma_wait3A_45 = arith.constant 0 : i32
        %dma_wait3A_46 = arith.constant 0 : i32
        %dma_wait3A_47 = tpu.memref_slice %arg8[%dma_wait3A_45, %dma_wait3A_46] : memref<10240x128xf32, #tpu.memory_space<vmem_shared>> -> memref<10240x128xf32, #tpu.memory_space<vmem_shared>>
        tpu.wait_indirect_dma semaphore(%arg9 : memref<!tpu.dma_semaphore, #tpu.memory_space<semaphore_mem>>) src(%arg7 : memref<128x128xf32, #tpu.memory_space<vmem>>) dst(%dma_wait3A_47 : memref<10240x128xf32, #tpu.memory_space<vmem_shared>>)
      } else {
      }
    }
    %scan3A_7 = arith.constant 40 : i32
    %dma_wait3A = arith.constant 0 : i32
    %dma_wait3A_8 = arith.constant 0 : i32
    %dma_wait3A_9 = tpu.memref_slice %arg6[%dma_wait3A, %dma_wait3A_8] : memref<40x128xi32, #tpu.memory_space<vmem>> -> memref<1x128xi32, #tpu.memory_space<vmem>>
    %dma_wait3A_10 = tpu.memref_squeeze %dma_wait3A_9 : memref<1x128xi32, #tpu.memory_space<vmem>> -> memref<128xi32, #tpu.memory_space<vmem>>
    %dma_wait3A_11 = arith.constant 0 : i32
    %dma_wait3A_12 = arith.constant 0 : i32
    %dma_wait3A_13 = tpu.memref_slice %arg8[%dma_wait3A_11, %dma_wait3A_12] : memref<10240x128xf32, #tpu.memory_space<vmem_shared>> -> memref<10240x128xf32, #tpu.memory_space<vmem_shared>>
    tpu.wait_indirect_dma semaphore(%arg9 : memref<!tpu.dma_semaphore, #tpu.memory_space<semaphore_mem>>) src(%arg7 : memref<128x128xf32, #tpu.memory_space<vmem>>) dst(%dma_wait3A_13 : memref<10240x128xf32, #tpu.memory_space<vmem_shared>>)
    %dma_wait3A_14 = arith.constant 0 : i32
    %dma_wait3A_15 = arith.constant 0 : i32
    %dma_wait3A_16 = tpu.memref_slice %arg6[%dma_wait3A_14, %dma_wait3A_15] : memref<40x128xi32, #tpu.memory_space<vmem>> -> memref<1x128xi32, #tpu.memory_space<vmem>>
    %dma_wait3A_17 = tpu.memref_squeeze %dma_wait3A_16 : memref<1x128xi32, #tpu.memory_space<vmem>> -> memref<128xi32, #tpu.memory_space<vmem>>
    %dma_wait3A_18 = arith.constant 0 : i32
    %dma_wait3A_19 = arith.constant 0 : i32
    %dma_wait3A_20 = tpu.memref_slice %arg8[%dma_wait3A_18, %dma_wait3A_19] : memref<10240x128xf32, #tpu.memory_space<vmem_shared>> -> memref<10240x128xf32, #tpu.memory_space<vmem_shared>>
    tpu.wait_indirect_dma semaphore(%arg9 : memref<!tpu.dma_semaphore, #tpu.memory_space<semaphore_mem>>) src(%arg7 : memref<128x128xf32, #tpu.memory_space<vmem>>) dst(%dma_wait3A_20 : memref<10240x128xf32, #tpu.memory_space<vmem_shared>>)
    %dma_wait3A_21 = arith.constant 0 : i32
    %dma_wait3A_22 = arith.constant 0 : i32
    %dma_wait3A_23 = tpu.memref_slice %arg6[%dma_wait3A_21, %dma_wait3A_22] : memref<40x128xi32, #tpu.memory_space<vmem>> -> memref<1x128xi32, #tpu.memory_space<vmem>>
    %dma_wait3A_24 = tpu.memref_squeeze %dma_wait3A_23 : memref<1x128xi32, #tpu.memory_space<vmem>> -> memref<128xi32, #tpu.memory_space<vmem>>
    %dma_wait3A_25 = arith.constant 0 : i32
    %dma_wait3A_26 = arith.constant 0 : i32
    %dma_wait3A_27 = tpu.memref_slice %arg8[%dma_wait3A_25, %dma_wait3A_26] : memref<10240x128xf32, #tpu.memory_space<vmem_shared>> -> memref<10240x128xf32, #tpu.memory_space<vmem_shared>>
    tpu.wait_indirect_dma semaphore(%arg9 : memref<!tpu.dma_semaphore, #tpu.memory_space<semaphore_mem>>) src(%arg7 : memref<128x128xf32, #tpu.memory_space<vmem>>) dst(%dma_wait3A_27 : memref<10240x128xf32, #tpu.memory_space<vmem_shared>>)
    %barrier3A_28 = arith.constant 0 : index
    tpu.barrier barrier_id(%barrier3A_28)
    %mul3A_29 = arith.constant 640 : i32
    %mul3A_30 = arith.muli %arg1, %mul3A_29 : i32
    %mul3A_31 = arith.constant 640 : i32
    %mul3A_32 = arith.muli %arg1, %mul3A_31 : i32
    "tpu.region"() ({
      %run_scoped3A = tpu.sem_alloc : memref<!tpu.dma_semaphore, #tpu.memory_space<semaphore_mem>>
      %dma_start3A = arith.constant 0 : i32
      %dma_start3A_33 = tpu.memref_slice %arg5[%arg0, %mul3A_32, %dma_start3A] : memref<2x10240x128xf32, #tpu.memory_space<hbm>> -> memref<1x640x128xf32, #tpu.memory_space<hbm>>
      %dma_start3A_34 = tpu.memref_squeeze %dma_start3A_33 : memref<1x640x128xf32, #tpu.memory_space<hbm>> -> memref<640x128xf32, #tpu.memory_space<hbm>>
      %dma_start3A_35 = arith.constant 0 : i32
      %dma_start3A_36 = tpu.memref_slice %arg8[%mul3A_30, %dma_start3A_35] : memref<10240x128xf32, #tpu.memory_space<vmem_shared>> -> memref<640x128xf32, #tpu.memory_space<vmem_shared>>
      tpu.enqueue_dma source(%dma_start3A_36 : memref<640x128xf32, #tpu.memory_space<vmem_shared>>) target(%dma_start3A_34 : memref<640x128xf32, #tpu.memory_space<hbm>>) target_semaphore(%run_scoped3A : memref<!tpu.dma_semaphore, #tpu.memory_space<semaphore_mem>>)
      %dma_wait3A_37 = arith.constant 0 : i32
      %dma_wait3A_38 = tpu.memref_slice %arg5[%arg0, %mul3A_32, %dma_wait3A_37] : memref<2x10240x128xf32, #tpu.memory_space<hbm>> -> memref<1x640x128xf32, #tpu.memory_space<hbm>>
      %dma_wait3A_39 = tpu.memref_squeeze %dma_wait3A_38 : memref<1x640x128xf32, #tpu.memory_space<hbm>> -> memref<640x128xf32, #tpu.memory_space<hbm>>
      %dma_wait3A_40 = arith.constant 0 : i32
      %dma_wait3A_41 = tpu.memref_slice %arg8[%mul3A_30, %dma_wait3A_40] : memref<10240x128xf32, #tpu.memory_space<vmem_shared>> -> memref<640x128xf32, #tpu.memory_space<vmem_shared>>
      tpu.wait_dma2 semaphore(%run_scoped3A : memref<!tpu.dma_semaphore, #tpu.memory_space<semaphore_mem>>) src(%dma_wait3A_41 : memref<640x128xf32, #tpu.memory_space<vmem_shared>>) dst(%dma_wait3A_39 : memref<640x128xf32, #tpu.memory_space<hbm>>)
      tpu.yield
    }) : () -> ()
    return
  }
}

#map = affine_map<(d0, d1) -> (0, 0)>
#map1 = affine_map<(d0, d1) -> (0, 0, 0, 0, 0)>
#map2 = affine_map<(d0, d1) -> (0, 0, 0, 0)>
module attributes {stable_mosaic.version = 14 : i64} {
  func.func @agg_kernel(%arg0: i32, %arg1: i32, %arg2: memref<20000x128xf32, #tpu.memory_space<hbm>>, %arg3: memref<2x16x80x2x128xi32, #tpu.memory_space<hbm>>, %arg4: memref<640x128xf32, #tpu.memory_space<hbm>>, %arg5: memref<2x2x10240x128xf32, #tpu.memory_space<hbm>>, %arg6: memref<4x2x128xi32, #tpu.memory_space<vmem>>, %arg7: memref<2x128x128xf32, #tpu.memory_space<vmem>>, %arg8: memref<10240x128xf32, #tpu.memory_space<vmem_shared>>, %arg9: memref<!tpu.dma_semaphore, #tpu.memory_space<semaphore_mem>>, %arg10: memref<!tpu.dma_semaphore, #tpu.memory_space<semaphore_mem>>, %arg11: memref<!tpu.dma_semaphore, #tpu.memory_space<semaphore_mem>>) attributes {dimension_semantics = [#tpu.dimension_semantics<core_parallel>, #tpu.dimension_semantics<subcore_parallel>], iteration_bounds = array<i64: 2, 16>, scalar_prefetch = 0 : i64, scratch_operands = 6 : i64, tpu.core_type = #tpu.core_type<sc_vector_subcore>, window_params = [{transform_indices = #map}, {transform_indices = #map1}, {transform_indices = #map}, {transform_indices = #map2}]} {
    %mul3A = arith.constant 640 : i32
    %mul3A_0 = arith.muli %arg1, %mul3A : i32
    "tpu.region"() ({
      %run_scoped3A_245 = tpu.sem_alloc : memref<!tpu.dma_semaphore, #tpu.memory_space<semaphore_mem>>
      %dma_start3A_246 = arith.constant 0 : i32
      %dma_start3A_247 = tpu.memref_slice %arg8[%mul3A_0, %dma_start3A_246] : memref<10240x128xf32, #tpu.memory_space<vmem_shared>> -> memref<640x128xf32, #tpu.memory_space<vmem_shared>>
      tpu.enqueue_dma source(%arg4 : memref<640x128xf32, #tpu.memory_space<hbm>>) target(%dma_start3A_247 : memref<640x128xf32, #tpu.memory_space<vmem_shared>>) target_semaphore(%run_scoped3A_245 : memref<!tpu.dma_semaphore, #tpu.memory_space<semaphore_mem>>)
      %dma_wait3A_248 = arith.constant 0 : i32
      %dma_wait3A_249 = tpu.memref_slice %arg8[%mul3A_0, %dma_wait3A_248] : memref<10240x128xf32, #tpu.memory_space<vmem_shared>> -> memref<640x128xf32, #tpu.memory_space<vmem_shared>>
      tpu.wait_dma2 semaphore(%run_scoped3A_245 : memref<!tpu.dma_semaphore, #tpu.memory_space<semaphore_mem>>) src(%arg4 : memref<640x128xf32, #tpu.memory_space<hbm>>) dst(%dma_wait3A_249 : memref<640x128xf32, #tpu.memory_space<vmem_shared>>)
      tpu.yield
    }) : () -> ()
    %mul3A_1 = arith.constant 40 : i32
    %mul3A_2 = arith.muli %arg0, %mul3A_1 : i32
    %add3A = arith.constant 0 : i32
    %add3A_3 = arith.addi %mul3A_2, %add3A : i32
    %dma_start3A = arith.constant 0 : i32
    %dma_start3A_4 = arith.constant 0 : i32
    %dma_start3A_5 = arith.constant 0 : i32
    %dma_start3A_6 = arith.constant 0 : i32
    %dma_start3A_7 = tpu.memref_slice %arg6[%dma_start3A_4, %dma_start3A_5, %dma_start3A_6] : memref<4x2x128xi32, #tpu.memory_space<vmem>> -> memref<1x2x128xi32, #tpu.memory_space<vmem>>
    %dma_start3A_8 = tpu.memref_squeeze %dma_start3A_7 : memref<1x2x128xi32, #tpu.memory_space<vmem>> -> memref<2x128xi32, #tpu.memory_space<vmem>>
    %dma_start3A_9 = arith.constant 0 : i32
    %dma_start3A_10 = arith.constant 0 : i32
    %dma_start3A_11 = tpu.memref_slice %arg3[%dma_start3A, %arg1, %add3A_3, %dma_start3A_9, %dma_start3A_10] : memref<2x16x80x2x128xi32, #tpu.memory_space<hbm>> -> memref<1x1x1x2x128xi32, #tpu.memory_space<hbm>>
    %dma_start3A_12 = tpu.memref_squeeze %dma_start3A_11 : memref<1x1x1x2x128xi32, #tpu.memory_space<hbm>> -> memref<2x128xi32, #tpu.memory_space<hbm>>
    %dma_start3A_13 = arith.constant 0 : i32
    %dma_start3A_14 = arith.constant 0 : i32
    %dma_start3A_15 = tpu.memref_slice %arg6[%dma_start3A_4, %dma_start3A_13, %dma_start3A_14] : memref<4x2x128xi32, #tpu.memory_space<vmem>> -> memref<1x2x128xi32, #tpu.memory_space<vmem>>
    %dma_start3A_16 = tpu.memref_squeeze %dma_start3A_15 : memref<1x2x128xi32, #tpu.memory_space<vmem>> -> memref<2x128xi32, #tpu.memory_space<vmem>>
    %dma_start3A_17 = arith.constant 0 : i32
    %dma_start3A_18 = arith.constant 0 : i32
    %dma_start3A_19 = tpu.memref_slice %arg3[%dma_start3A, %arg1, %add3A_3, %dma_start3A_17, %dma_start3A_18] : memref<2x16x80x2x128xi32, #tpu.memory_space<hbm>> -> memref<1x1x1x2x128xi32, #tpu.memory_space<hbm>>
    %dma_start3A_20 = tpu.memref_squeeze %dma_start3A_19 : memref<1x1x1x2x128xi32, #tpu.memory_space<hbm>> -> memref<2x128xi32, #tpu.memory_space<hbm>>
    tpu.enqueue_dma source(%dma_start3A_20 : memref<2x128xi32, #tpu.memory_space<hbm>>) target(%dma_start3A_16 : memref<2x128xi32, #tpu.memory_space<vmem>>) target_semaphore(%arg10 : memref<!tpu.dma_semaphore, #tpu.memory_space<semaphore_mem>>)
    %dma_wait3A = arith.constant 0 : i32
    %dma_wait3A_21 = arith.constant 0 : i32
    %dma_wait3A_22 = arith.constant 0 : i32
    %dma_wait3A_23 = arith.constant 0 : i32
    %dma_wait3A_24 = arith.constant 0 : i32
    %dma_wait3A_25 = tpu.memref_slice %arg6[%dma_wait3A_22, %dma_wait3A_23, %dma_wait3A_24] : memref<4x2x128xi32, #tpu.memory_space<vmem>> -> memref<1x2x128xi32, #tpu.memory_space<vmem>>
    %dma_wait3A_26 = tpu.memref_squeeze %dma_wait3A_25 : memref<1x2x128xi32, #tpu.memory_space<vmem>> -> memref<2x128xi32, #tpu.memory_space<vmem>>
    %dma_wait3A_27 = arith.constant 0 : i32
    %dma_wait3A_28 = tpu.memref_slice %arg6[%dma_wait3A, %dma_wait3A_21, %dma_wait3A_27] : memref<4x2x128xi32, #tpu.memory_space<vmem>> -> memref<1x1x128xi32, #tpu.memory_space<vmem>>
    %dma_wait3A_29 = tpu.memref_squeeze %dma_wait3A_28 : memref<1x1x128xi32, #tpu.memory_space<vmem>> -> memref<128xi32, #tpu.memory_space<vmem>>
    %dma_wait3A_30 = arith.constant 0 : i32
    %dma_wait3A_31 = arith.constant 0 : i32
    %dma_wait3A_32 = tpu.memref_slice %arg2[%dma_wait3A_30, %dma_wait3A_31] : memref<20000x128xf32, #tpu.memory_space<hbm>> -> memref<20000x128xf32, #tpu.memory_space<hbm>>
    tpu.wait_indirect_dma semaphore(%arg10 : memref<!tpu.dma_semaphore, #tpu.memory_space<semaphore_mem>>) src(%dma_wait3A_32 : memref<20000x128xf32, #tpu.memory_space<hbm>>) dst(%dma_wait3A_26 : memref<2x128xi32, #tpu.memory_space<vmem>>)
    %min3A = arith.constant 1 : i32
    %min3A_33 = arith.constant 39 : i32
    %min3A_34 = arith.minsi %min3A, %min3A_33 : i32
    %mul3A_35 = arith.constant 40 : i32
    %mul3A_36 = arith.muli %arg0, %mul3A_35 : i32
    %add3A_37 = arith.addi %mul3A_36, %min3A_34 : i32
    %dma_start3A_38 = arith.constant 0 : i32
    %dma_start3A_39 = arith.constant 1 : i32
    %dma_start3A_40 = arith.constant 0 : i32
    %dma_start3A_41 = arith.constant 0 : i32
    %dma_start3A_42 = tpu.memref_slice %arg6[%dma_start3A_39, %dma_start3A_40, %dma_start3A_41] : memref<4x2x128xi32, #tpu.memory_space<vmem>> -> memref<1x2x128xi32, #tpu.memory_space<vmem>>
    %dma_start3A_43 = tpu.memref_squeeze %dma_start3A_42 : memref<1x2x128xi32, #tpu.memory_space<vmem>> -> memref<2x128xi32, #tpu.memory_space<vmem>>
    %dma_start3A_44 = arith.constant 0 : i32
    %dma_start3A_45 = arith.constant 0 : i32
    %dma_start3A_46 = tpu.memref_slice %arg3[%dma_start3A_38, %arg1, %add3A_37, %dma_start3A_44, %dma_start3A_45] : memref<2x16x80x2x128xi32, #tpu.memory_space<hbm>> -> memref<1x1x1x2x128xi32, #tpu.memory_space<hbm>>
    %dma_start3A_47 = tpu.memref_squeeze %dma_start3A_46 : memref<1x1x1x2x128xi32, #tpu.memory_space<hbm>> -> memref<2x128xi32, #tpu.memory_space<hbm>>
    %dma_start3A_48 = arith.constant 0 : i32
    %dma_start3A_49 = arith.constant 0 : i32
    %dma_start3A_50 = tpu.memref_slice %arg6[%dma_start3A_39, %dma_start3A_48, %dma_start3A_49] : memref<4x2x128xi32, #tpu.memory_space<vmem>> -> memref<1x2x128xi32, #tpu.memory_space<vmem>>
    %dma_start3A_51 = tpu.memref_squeeze %dma_start3A_50 : memref<1x2x128xi32, #tpu.memory_space<vmem>> -> memref<2x128xi32, #tpu.memory_space<vmem>>
    %dma_start3A_52 = arith.constant 0 : i32
    %dma_start3A_53 = arith.constant 0 : i32
    %dma_start3A_54 = tpu.memref_slice %arg3[%dma_start3A_38, %arg1, %add3A_37, %dma_start3A_52, %dma_start3A_53] : memref<2x16x80x2x128xi32, #tpu.memory_space<hbm>> -> memref<1x1x1x2x128xi32, #tpu.memory_space<hbm>>
    %dma_start3A_55 = tpu.memref_squeeze %dma_start3A_54 : memref<1x1x1x2x128xi32, #tpu.memory_space<hbm>> -> memref<2x128xi32, #tpu.memory_space<hbm>>
    tpu.enqueue_dma source(%dma_start3A_55 : memref<2x128xi32, #tpu.memory_space<hbm>>) target(%dma_start3A_51 : memref<2x128xi32, #tpu.memory_space<vmem>>) target_semaphore(%arg10 : memref<!tpu.dma_semaphore, #tpu.memory_space<semaphore_mem>>)
    %barrier3A = arith.constant 0 : index
    tpu.barrier barrier_id(%barrier3A)
    %dma_start3A_56 = arith.constant 0 : i32
    %dma_start3A_57 = arith.constant 0 : i32
    %dma_start3A_58 = arith.constant 0 : i32
    %dma_start3A_59 = arith.constant 0 : i32
    %dma_start3A_60 = arith.constant 0 : i32
    %dma_start3A_61 = tpu.memref_slice %arg7[%dma_start3A_58, %dma_start3A_59, %dma_start3A_60] : memref<2x128x128xf32, #tpu.memory_space<vmem>> -> memref<1x128x128xf32, #tpu.memory_space<vmem>>
    %dma_start3A_62 = tpu.memref_squeeze %dma_start3A_61 : memref<1x128x128xf32, #tpu.memory_space<vmem>> -> memref<128x128xf32, #tpu.memory_space<vmem>>
    %dma_start3A_63 = arith.constant 0 : i32
    %dma_start3A_64 = tpu.memref_slice %arg6[%dma_start3A_56, %dma_start3A_57, %dma_start3A_63] : memref<4x2x128xi32, #tpu.memory_space<vmem>> -> memref<1x1x128xi32, #tpu.memory_space<vmem>>
    %dma_start3A_65 = tpu.memref_squeeze %dma_start3A_64 : memref<1x1x128xi32, #tpu.memory_space<vmem>> -> memref<128xi32, #tpu.memory_space<vmem>>
    %dma_start3A_66 = arith.constant 0 : i32
    %dma_start3A_67 = arith.constant 0 : i32
    %dma_start3A_68 = tpu.memref_slice %arg2[%dma_start3A_66, %dma_start3A_67] : memref<20000x128xf32, #tpu.memory_space<hbm>> -> memref<20000x128xf32, #tpu.memory_space<hbm>>
    tpu.enqueue_indirect_dma source(%dma_start3A_68 : memref<20000x128xf32, #tpu.memory_space<hbm>>) target(%dma_start3A_62 : memref<128x128xf32, #tpu.memory_space<vmem>>) offsets(%dma_start3A_65 : memref<128xi32, #tpu.memory_space<vmem>>) semaphore(%arg9 : memref<!tpu.dma_semaphore, #tpu.memory_space<semaphore_mem>>)
    %scan3A = arith.constant 0 : i32
    %scan3A_69 = arith.constant 0 : i32
    %scan3A_70 = arith.constant 40 : i32
    %scan3A_71 = arith.addi %scan3A_69, %scan3A_70 : i32
    %scan3A_72 = arith.constant 1 : i32
    scf.for %scan3A_245 = %scan3A_69 to %scan3A_71 step %scan3A_72  : i32 {
      %rem3A = arith.constant 2 : i32
      %rem3A_246 = arith.remsi %scan3A_245, %rem3A : i32
      %sub3A = arith.constant 1 : i32
      %sub3A_247 = arith.subi %sub3A, %rem3A_246 : i32
      %rem3A_248 = arith.constant 4 : i32
      %rem3A_249 = arith.remsi %scan3A_245, %rem3A_248 : i32
      %add3A_250 = arith.constant 1 : i32
      %add3A_251 = arith.addi %scan3A_245, %add3A_250 : i32
      %rem3A_252 = arith.constant 4 : i32
      %rem3A_253 = arith.remsi %add3A_251, %rem3A_252 : i32
      %dma_wait3A_254 = arith.constant 0 : i32
      %dma_wait3A_255 = arith.constant 0 : i32
      %dma_wait3A_256 = arith.constant 0 : i32
      %dma_wait3A_257 = arith.constant 0 : i32
      %dma_wait3A_258 = arith.constant 0 : i32
      %dma_wait3A_259 = tpu.memref_slice %arg6[%dma_wait3A_256, %dma_wait3A_257, %dma_wait3A_258] : memref<4x2x128xi32, #tpu.memory_space<vmem>> -> memref<1x2x128xi32, #tpu.memory_space<vmem>>
      %dma_wait3A_260 = tpu.memref_squeeze %dma_wait3A_259 : memref<1x2x128xi32, #tpu.memory_space<vmem>> -> memref<2x128xi32, #tpu.memory_space<vmem>>
      %dma_wait3A_261 = arith.constant 0 : i32
      %dma_wait3A_262 = tpu.memref_slice %arg6[%dma_wait3A_254, %dma_wait3A_255, %dma_wait3A_261] : memref<4x2x128xi32, #tpu.memory_space<vmem>> -> memref<1x1x128xi32, #tpu.memory_space<vmem>>
      %dma_wait3A_263 = tpu.memref_squeeze %dma_wait3A_262 : memref<1x1x128xi32, #tpu.memory_space<vmem>> -> memref<128xi32, #tpu.memory_space<vmem>>
      %dma_wait3A_264 = arith.constant 0 : i32
      %dma_wait3A_265 = arith.constant 0 : i32
      %dma_wait3A_266 = tpu.memref_slice %arg2[%dma_wait3A_264, %dma_wait3A_265] : memref<20000x128xf32, #tpu.memory_space<hbm>> -> memref<20000x128xf32, #tpu.memory_space<hbm>>
      tpu.wait_indirect_dma semaphore(%arg10 : memref<!tpu.dma_semaphore, #tpu.memory_space<semaphore_mem>>) src(%dma_wait3A_266 : memref<20000x128xf32, #tpu.memory_space<hbm>>) dst(%dma_wait3A_260 : memref<2x128xi32, #tpu.memory_space<vmem>>)
      %ge3A = arith.constant 1 : i32
      %ge3A_267 = arith.cmpi sge, %scan3A_245, %ge3A : i32
      %convert_element_type3A = arith.extui %ge3A_267 : i1 to i32
      %cond3A = arith.constant 0 : i32
      %cond3A_268 = arith.cmpi ne, %convert_element_type3A, %cond3A : i32
      scf.if %cond3A_268 {
        %dma_wait3A_332 = arith.constant 0 : i32
        %dma_wait3A_333 = arith.constant 0 : i32
        %dma_wait3A_334 = arith.constant 1 : i32
        %dma_wait3A_335 = arith.constant 0 : i32
        %dma_wait3A_336 = arith.constant 0 : i32
        %dma_wait3A_337 = tpu.memref_slice %arg7[%dma_wait3A_332, %dma_wait3A_335, %dma_wait3A_336] : memref<2x128x128xf32, #tpu.memory_space<vmem>> -> memref<1x128x128xf32, #tpu.memory_space<vmem>>
        %dma_wait3A_338 = tpu.memref_squeeze %dma_wait3A_337 : memref<1x128x128xf32, #tpu.memory_space<vmem>> -> memref<128x128xf32, #tpu.memory_space<vmem>>
        %dma_wait3A_339 = arith.constant 0 : i32
        %dma_wait3A_340 = tpu.memref_slice %arg6[%dma_wait3A_333, %dma_wait3A_334, %dma_wait3A_339] : memref<4x2x128xi32, #tpu.memory_space<vmem>> -> memref<1x1x128xi32, #tpu.memory_space<vmem>>
        %dma_wait3A_341 = tpu.memref_squeeze %dma_wait3A_340 : memref<1x1x128xi32, #tpu.memory_space<vmem>> -> memref<128xi32, #tpu.memory_space<vmem>>
        %dma_wait3A_342 = arith.constant 0 : i32
        %dma_wait3A_343 = arith.constant 0 : i32
        %dma_wait3A_344 = tpu.memref_slice %arg8[%dma_wait3A_342, %dma_wait3A_343] : memref<10240x128xf32, #tpu.memory_space<vmem_shared>> -> memref<10240x128xf32, #tpu.memory_space<vmem_shared>>
        tpu.wait_indirect_dma semaphore(%arg11 : memref<!tpu.dma_semaphore, #tpu.memory_space<semaphore_mem>>) src(%dma_wait3A_338 : memref<128x128xf32, #tpu.memory_space<vmem>>) dst(%dma_wait3A_344 : memref<10240x128xf32, #tpu.memory_space<vmem_shared>>)
      } else {
      }
      %dma_start3A_269 = arith.constant 0 : i32
      %dma_start3A_270 = arith.constant 0 : i32
      %dma_start3A_271 = arith.constant 0 : i32
      %dma_start3A_272 = tpu.memref_slice %arg7[%sub3A_247, %dma_start3A_270, %dma_start3A_271] : memref<2x128x128xf32, #tpu.memory_space<vmem>> -> memref<1x128x128xf32, #tpu.memory_space<vmem>>
      %dma_start3A_273 = tpu.memref_squeeze %dma_start3A_272 : memref<1x128x128xf32, #tpu.memory_space<vmem>> -> memref<128x128xf32, #tpu.memory_space<vmem>>
      %dma_start3A_274 = arith.constant 0 : i32
      %dma_start3A_275 = tpu.memref_slice %arg6[%rem3A_253, %dma_start3A_269, %dma_start3A_274] : memref<4x2x128xi32, #tpu.memory_space<vmem>> -> memref<1x1x128xi32, #tpu.memory_space<vmem>>
      %dma_start3A_276 = tpu.memref_squeeze %dma_start3A_275 : memref<1x1x128xi32, #tpu.memory_space<vmem>> -> memref<128xi32, #tpu.memory_space<vmem>>
      %dma_start3A_277 = arith.constant 0 : i32
      %dma_start3A_278 = arith.constant 0 : i32
      %dma_start3A_279 = tpu.memref_slice %arg2[%dma_start3A_277, %dma_start3A_278] : memref<20000x128xf32, #tpu.memory_space<hbm>> -> memref<20000x128xf32, #tpu.memory_space<hbm>>
      tpu.enqueue_indirect_dma source(%dma_start3A_279 : memref<20000x128xf32, #tpu.memory_space<hbm>>) target(%dma_start3A_273 : memref<128x128xf32, #tpu.memory_space<vmem>>) offsets(%dma_start3A_276 : memref<128xi32, #tpu.memory_space<vmem>>) semaphore(%arg9 : memref<!tpu.dma_semaphore, #tpu.memory_space<semaphore_mem>>)
      %dma_wait3A_280 = arith.constant 0 : i32
      %dma_wait3A_281 = arith.constant 0 : i32
      %dma_wait3A_282 = arith.constant 0 : i32
      %dma_wait3A_283 = arith.constant 0 : i32
      %dma_wait3A_284 = arith.constant 0 : i32
      %dma_wait3A_285 = tpu.memref_slice %arg7[%dma_wait3A_282, %dma_wait3A_283, %dma_wait3A_284] : memref<2x128x128xf32, #tpu.memory_space<vmem>> -> memref<1x128x128xf32, #tpu.memory_space<vmem>>
      %dma_wait3A_286 = tpu.memref_squeeze %dma_wait3A_285 : memref<1x128x128xf32, #tpu.memory_space<vmem>> -> memref<128x128xf32, #tpu.memory_space<vmem>>
      %dma_wait3A_287 = arith.constant 0 : i32
      %dma_wait3A_288 = tpu.memref_slice %arg6[%dma_wait3A_280, %dma_wait3A_281, %dma_wait3A_287] : memref<4x2x128xi32, #tpu.memory_space<vmem>> -> memref<1x1x128xi32, #tpu.memory_space<vmem>>
      %dma_wait3A_289 = tpu.memref_squeeze %dma_wait3A_288 : memref<1x1x128xi32, #tpu.memory_space<vmem>> -> memref<128xi32, #tpu.memory_space<vmem>>
      %dma_wait3A_290 = arith.constant 0 : i32
      %dma_wait3A_291 = arith.constant 0 : i32
      %dma_wait3A_292 = tpu.memref_slice %arg2[%dma_wait3A_290, %dma_wait3A_291] : memref<20000x128xf32, #tpu.memory_space<hbm>> -> memref<20000x128xf32, #tpu.memory_space<hbm>>
      tpu.wait_indirect_dma semaphore(%arg9 : memref<!tpu.dma_semaphore, #tpu.memory_space<semaphore_mem>>) src(%dma_wait3A_292 : memref<20000x128xf32, #tpu.memory_space<hbm>>) dst(%dma_wait3A_286 : memref<128x128xf32, #tpu.memory_space<vmem>>)
      %dma_start3A_293 = arith.constant 1 : i32
      %dma_start3A_294 = arith.constant 0 : i32
      %dma_start3A_295 = arith.constant 0 : i32
      %dma_start3A_296 = tpu.memref_slice %arg7[%rem3A_246, %dma_start3A_294, %dma_start3A_295] : memref<2x128x128xf32, #tpu.memory_space<vmem>> -> memref<1x128x128xf32, #tpu.memory_space<vmem>>
      %dma_start3A_297 = tpu.memref_squeeze %dma_start3A_296 : memref<1x128x128xf32, #tpu.memory_space<vmem>> -> memref<128x128xf32, #tpu.memory_space<vmem>>
      %dma_start3A_298 = arith.constant 0 : i32
      %dma_start3A_299 = tpu.memref_slice %arg6[%rem3A_249, %dma_start3A_293, %dma_start3A_298] : memref<4x2x128xi32, #tpu.memory_space<vmem>> -> memref<1x1x128xi32, #tpu.memory_space<vmem>>
      %dma_start3A_300 = tpu.memref_squeeze %dma_start3A_299 : memref<1x1x128xi32, #tpu.memory_space<vmem>> -> memref<128xi32, #tpu.memory_space<vmem>>
      %dma_start3A_301 = arith.constant 0 : i32
      %dma_start3A_302 = arith.constant 0 : i32
      %dma_start3A_303 = tpu.memref_slice %arg8[%dma_start3A_301, %dma_start3A_302] : memref<10240x128xf32, #tpu.memory_space<vmem_shared>> -> memref<10240x128xf32, #tpu.memory_space<vmem_shared>>
      tpu.enqueue_indirect_dma source(%dma_start3A_297 : memref<128x128xf32, #tpu.memory_space<vmem>>) target(%dma_start3A_303 : memref<10240x128xf32, #tpu.memory_space<vmem_shared>>) offsets(%dma_start3A_300 : memref<128xi32, #tpu.memory_space<vmem>>) semaphore(%arg11 : memref<!tpu.dma_semaphore, #tpu.memory_space<semaphore_mem>>) {add = true}
      %add3A_304 = arith.constant 2 : i32
      %add3A_305 = arith.addi %scan3A_245, %add3A_304 : i32
      %min3A_306 = arith.constant 39 : i32
      %min3A_307 = arith.minsi %add3A_305, %min3A_306 : i32
      %add3A_308 = arith.constant 2 : i32
      %add3A_309 = arith.addi %scan3A_245, %add3A_308 : i32
      %rem3A_310 = arith.constant 4 : i32
      %rem3A_311 = arith.remsi %add3A_309, %rem3A_310 : i32
      %mul3A_312 = arith.constant 40 : i32
      %mul3A_313 = arith.muli %arg0, %mul3A_312 : i32
      %add3A_314 = arith.addi %mul3A_313, %min3A_307 : i32
      %dma_start3A_315 = arith.constant 0 : i32
      %dma_start3A_316 = arith.constant 0 : i32
      %dma_start3A_317 = arith.constant 0 : i32
      %dma_start3A_318 = tpu.memref_slice %arg6[%rem3A_311, %dma_start3A_316, %dma_start3A_317] : memref<4x2x128xi32, #tpu.memory_space<vmem>> -> memref<1x2x128xi32, #tpu.memory_space<vmem>>
      %dma_start3A_319 = tpu.memref_squeeze %dma_start3A_318 : memref<1x2x128xi32, #tpu.memory_space<vmem>> -> memref<2x128xi32, #tpu.memory_space<vmem>>
      %dma_start3A_320 = arith.constant 0 : i32
      %dma_start3A_321 = arith.constant 0 : i32
      %dma_start3A_322 = tpu.memref_slice %arg3[%dma_start3A_315, %arg1, %add3A_314, %dma_start3A_320, %dma_start3A_321] : memref<2x16x80x2x128xi32, #tpu.memory_space<hbm>> -> memref<1x1x1x2x128xi32, #tpu.memory_space<hbm>>
      %dma_start3A_323 = tpu.memref_squeeze %dma_start3A_322 : memref<1x1x1x2x128xi32, #tpu.memory_space<hbm>> -> memref<2x128xi32, #tpu.memory_space<hbm>>
      %dma_start3A_324 = arith.constant 0 : i32
      %dma_start3A_325 = arith.constant 0 : i32
      %dma_start3A_326 = tpu.memref_slice %arg6[%rem3A_311, %dma_start3A_324, %dma_start3A_325] : memref<4x2x128xi32, #tpu.memory_space<vmem>> -> memref<1x2x128xi32, #tpu.memory_space<vmem>>
      %dma_start3A_327 = tpu.memref_squeeze %dma_start3A_326 : memref<1x2x128xi32, #tpu.memory_space<vmem>> -> memref<2x128xi32, #tpu.memory_space<vmem>>
      %dma_start3A_328 = arith.constant 0 : i32
      %dma_start3A_329 = arith.constant 0 : i32
      %dma_start3A_330 = tpu.memref_slice %arg3[%dma_start3A_315, %arg1, %add3A_314, %dma_start3A_328, %dma_start3A_329] : memref<2x16x80x2x128xi32, #tpu.memory_space<hbm>> -> memref<1x1x1x2x128xi32, #tpu.memory_space<hbm>>
      %dma_start3A_331 = tpu.memref_squeeze %dma_start3A_330 : memref<1x1x1x2x128xi32, #tpu.memory_space<hbm>> -> memref<2x128xi32, #tpu.memory_space<hbm>>
      tpu.enqueue_dma source(%dma_start3A_331 : memref<2x128xi32, #tpu.memory_space<hbm>>) target(%dma_start3A_327 : memref<2x128xi32, #tpu.memory_space<vmem>>) target_semaphore(%arg10 : memref<!tpu.dma_semaphore, #tpu.memory_space<semaphore_mem>>)
    }
    %scan3A_73 = arith.constant 40 : i32
    %dma_wait3A_74 = arith.constant 0 : i32
    %dma_wait3A_75 = arith.constant 0 : i32
    %dma_wait3A_76 = arith.constant 0 : i32
    %dma_wait3A_77 = arith.constant 0 : i32
    %dma_wait3A_78 = arith.constant 0 : i32
    %dma_wait3A_79 = tpu.memref_slice %arg6[%dma_wait3A_76, %dma_wait3A_77, %dma_wait3A_78] : memref<4x2x128xi32, #tpu.memory_space<vmem>> -> memref<1x2x128xi32, #tpu.memory_space<vmem>>
    %dma_wait3A_80 = tpu.memref_squeeze %dma_wait3A_79 : memref<1x2x128xi32, #tpu.memory_space<vmem>> -> memref<2x128xi32, #tpu.memory_space<vmem>>
    %dma_wait3A_81 = arith.constant 0 : i32
    %dma_wait3A_82 = tpu.memref_slice %arg6[%dma_wait3A_74, %dma_wait3A_75, %dma_wait3A_81] : memref<4x2x128xi32, #tpu.memory_space<vmem>> -> memref<1x1x128xi32, #tpu.memory_space<vmem>>
    %dma_wait3A_83 = tpu.memref_squeeze %dma_wait3A_82 : memref<1x1x128xi32, #tpu.memory_space<vmem>> -> memref<128xi32, #tpu.memory_space<vmem>>
    %dma_wait3A_84 = arith.constant 0 : i32
    %dma_wait3A_85 = arith.constant 0 : i32
    %dma_wait3A_86 = tpu.memref_slice %arg2[%dma_wait3A_84, %dma_wait3A_85] : memref<20000x128xf32, #tpu.memory_space<hbm>> -> memref<20000x128xf32, #tpu.memory_space<hbm>>
    tpu.wait_indirect_dma semaphore(%arg10 : memref<!tpu.dma_semaphore, #tpu.memory_space<semaphore_mem>>) src(%dma_wait3A_86 : memref<20000x128xf32, #tpu.memory_space<hbm>>) dst(%dma_wait3A_80 : memref<2x128xi32, #tpu.memory_space<vmem>>)
    %dma_wait3A_87 = arith.constant 0 : i32
    %dma_wait3A_88 = arith.constant 0 : i32
    %dma_wait3A_89 = arith.constant 0 : i32
    %dma_wait3A_90 = arith.constant 0 : i32
    %dma_wait3A_91 = arith.constant 0 : i32
    %dma_wait3A_92 = tpu.memref_slice %arg7[%dma_wait3A_89, %dma_wait3A_90, %dma_wait3A_91] : memref<2x128x128xf32, #tpu.memory_space<vmem>> -> memref<1x128x128xf32, #tpu.memory_space<vmem>>
    %dma_wait3A_93 = tpu.memref_squeeze %dma_wait3A_92 : memref<1x128x128xf32, #tpu.memory_space<vmem>> -> memref<128x128xf32, #tpu.memory_space<vmem>>
    %dma_wait3A_94 = arith.constant 0 : i32
    %dma_wait3A_95 = tpu.memref_slice %arg6[%dma_wait3A_87, %dma_wait3A_88, %dma_wait3A_94] : memref<4x2x128xi32, #tpu.memory_space<vmem>> -> memref<1x1x128xi32, #tpu.memory_space<vmem>>
    %dma_wait3A_96 = tpu.memref_squeeze %dma_wait3A_95 : memref<1x1x128xi32, #tpu.memory_space<vmem>> -> memref<128xi32, #tpu.memory_space<vmem>>
    %dma_wait3A_97 = arith.constant 0 : i32
    %dma_wait3A_98 = arith.constant 0 : i32
    %dma_wait3A_99 = tpu.memref_slice %arg2[%dma_wait3A_97, %dma_wait3A_98] : memref<20000x128xf32, #tpu.memory_space<hbm>> -> memref<20000x128xf32, #tpu.memory_space<hbm>>
    tpu.wait_indirect_dma semaphore(%arg9 : memref<!tpu.dma_semaphore, #tpu.memory_space<semaphore_mem>>) src(%dma_wait3A_99 : memref<20000x128xf32, #tpu.memory_space<hbm>>) dst(%dma_wait3A_93 : memref<128x128xf32, #tpu.memory_space<vmem>>)
    %dma_wait3A_100 = arith.constant 0 : i32
    %dma_wait3A_101 = arith.constant 0 : i32
    %dma_wait3A_102 = arith.constant 1 : i32
    %dma_wait3A_103 = arith.constant 0 : i32
    %dma_wait3A_104 = arith.constant 0 : i32
    %dma_wait3A_105 = tpu.memref_slice %arg7[%dma_wait3A_100, %dma_wait3A_103, %dma_wait3A_104] : memref<2x128x128xf32, #tpu.memory_space<vmem>> -> memref<1x128x128xf32, #tpu.memory_space<vmem>>
    %dma_wait3A_106 = tpu.memref_squeeze %dma_wait3A_105 : memref<1x128x128xf32, #tpu.memory_space<vmem>> -> memref<128x128xf32, #tpu.memory_space<vmem>>
    %dma_wait3A_107 = arith.constant 0 : i32
    %dma_wait3A_108 = tpu.memref_slice %arg6[%dma_wait3A_101, %dma_wait3A_102, %dma_wait3A_107] : memref<4x2x128xi32, #tpu.memory_space<vmem>> -> memref<1x1x128xi32, #tpu.memory_space<vmem>>
    %dma_wait3A_109 = tpu.memref_squeeze %dma_wait3A_108 : memref<1x1x128xi32, #tpu.memory_space<vmem>> -> memref<128xi32, #tpu.memory_space<vmem>>
    %dma_wait3A_110 = arith.constant 0 : i32
    %dma_wait3A_111 = arith.constant 0 : i32
    %dma_wait3A_112 = tpu.memref_slice %arg8[%dma_wait3A_110, %dma_wait3A_111] : memref<10240x128xf32, #tpu.memory_space<vmem_shared>> -> memref<10240x128xf32, #tpu.memory_space<vmem_shared>>
    tpu.wait_indirect_dma semaphore(%arg11 : memref<!tpu.dma_semaphore, #tpu.memory_space<semaphore_mem>>) src(%dma_wait3A_106 : memref<128x128xf32, #tpu.memory_space<vmem>>) dst(%dma_wait3A_112 : memref<10240x128xf32, #tpu.memory_space<vmem_shared>>)
    %barrier3A_113 = arith.constant 0 : index
    tpu.barrier barrier_id(%barrier3A_113)
    %mul3A_114 = arith.constant 640 : i32
    %mul3A_115 = arith.muli %arg1, %mul3A_114 : i32
    %mul3A_116 = arith.constant 640 : i32
    %mul3A_117 = arith.muli %arg1, %mul3A_116 : i32
    %run_scoped3A = arith.constant 0 : i32
    "tpu.region"() ({
      %run_scoped3A_245 = tpu.sem_alloc : memref<!tpu.dma_semaphore, #tpu.memory_space<semaphore_mem>>
      %dma_start3A_246 = arith.constant 0 : i32
      %dma_start3A_247 = tpu.memref_slice %arg5[%run_scoped3A, %arg0, %mul3A_117, %dma_start3A_246] : memref<2x2x10240x128xf32, #tpu.memory_space<hbm>> -> memref<1x1x640x128xf32, #tpu.memory_space<hbm>>
      %dma_start3A_248 = tpu.memref_squeeze %dma_start3A_247 : memref<1x1x640x128xf32, #tpu.memory_space<hbm>> -> memref<640x128xf32, #tpu.memory_space<hbm>>
      %dma_start3A_249 = arith.constant 0 : i32
      %dma_start3A_250 = tpu.memref_slice %arg8[%mul3A_115, %dma_start3A_249] : memref<10240x128xf32, #tpu.memory_space<vmem_shared>> -> memref<640x128xf32, #tpu.memory_space<vmem_shared>>
      tpu.enqueue_dma source(%dma_start3A_250 : memref<640x128xf32, #tpu.memory_space<vmem_shared>>) target(%dma_start3A_248 : memref<640x128xf32, #tpu.memory_space<hbm>>) target_semaphore(%run_scoped3A_245 : memref<!tpu.dma_semaphore, #tpu.memory_space<semaphore_mem>>)
      %dma_wait3A_251 = arith.constant 0 : i32
      %dma_wait3A_252 = tpu.memref_slice %arg5[%run_scoped3A, %arg0, %mul3A_117, %dma_wait3A_251] : memref<2x2x10240x128xf32, #tpu.memory_space<hbm>> -> memref<1x1x640x128xf32, #tpu.memory_space<hbm>>
      %dma_wait3A_253 = tpu.memref_squeeze %dma_wait3A_252 : memref<1x1x640x128xf32, #tpu.memory_space<hbm>> -> memref<640x128xf32, #tpu.memory_space<hbm>>
      %dma_wait3A_254 = arith.constant 0 : i32
      %dma_wait3A_255 = tpu.memref_slice %arg8[%mul3A_115, %dma_wait3A_254] : memref<10240x128xf32, #tpu.memory_space<vmem_shared>> -> memref<640x128xf32, #tpu.memory_space<vmem_shared>>
      tpu.wait_dma2 semaphore(%run_scoped3A_245 : memref<!tpu.dma_semaphore, #tpu.memory_space<semaphore_mem>>) src(%dma_wait3A_255 : memref<640x128xf32, #tpu.memory_space<vmem_shared>>) dst(%dma_wait3A_253 : memref<640x128xf32, #tpu.memory_space<hbm>>)
      tpu.yield
    }) : () -> ()
    %barrier3A_118 = arith.constant 0 : index
    tpu.barrier barrier_id(%barrier3A_118)
    %mul3A_119 = arith.constant 640 : i32
    %mul3A_120 = arith.muli %arg1, %mul3A_119 : i32
    "tpu.region"() ({
      %run_scoped3A_245 = tpu.sem_alloc : memref<!tpu.dma_semaphore, #tpu.memory_space<semaphore_mem>>
      %dma_start3A_246 = arith.constant 0 : i32
      %dma_start3A_247 = tpu.memref_slice %arg8[%mul3A_120, %dma_start3A_246] : memref<10240x128xf32, #tpu.memory_space<vmem_shared>> -> memref<640x128xf32, #tpu.memory_space<vmem_shared>>
      tpu.enqueue_dma source(%arg4 : memref<640x128xf32, #tpu.memory_space<hbm>>) target(%dma_start3A_247 : memref<640x128xf32, #tpu.memory_space<vmem_shared>>) target_semaphore(%run_scoped3A_245 : memref<!tpu.dma_semaphore, #tpu.memory_space<semaphore_mem>>)
      %dma_wait3A_248 = arith.constant 0 : i32
      %dma_wait3A_249 = tpu.memref_slice %arg8[%mul3A_120, %dma_wait3A_248] : memref<10240x128xf32, #tpu.memory_space<vmem_shared>> -> memref<640x128xf32, #tpu.memory_space<vmem_shared>>
      tpu.wait_dma2 semaphore(%run_scoped3A_245 : memref<!tpu.dma_semaphore, #tpu.memory_space<semaphore_mem>>) src(%arg4 : memref<640x128xf32, #tpu.memory_space<hbm>>) dst(%dma_wait3A_249 : memref<640x128xf32, #tpu.memory_space<vmem_shared>>)
      tpu.yield
    }) : () -> ()
    %mul3A_121 = arith.constant 40 : i32
    %mul3A_122 = arith.muli %arg0, %mul3A_121 : i32
    %add3A_123 = arith.constant 0 : i32
    %add3A_124 = arith.addi %mul3A_122, %add3A_123 : i32
    %dma_start3A_125 = arith.constant 1 : i32
    %dma_start3A_126 = arith.constant 0 : i32
    %dma_start3A_127 = arith.constant 0 : i32
    %dma_start3A_128 = arith.constant 0 : i32
    %dma_start3A_129 = tpu.memref_slice %arg6[%dma_start3A_126, %dma_start3A_127, %dma_start3A_128] : memref<4x2x128xi32, #tpu.memory_space<vmem>> -> memref<1x2x128xi32, #tpu.memory_space<vmem>>
    %dma_start3A_130 = tpu.memref_squeeze %dma_start3A_129 : memref<1x2x128xi32, #tpu.memory_space<vmem>> -> memref<2x128xi32, #tpu.memory_space<vmem>>
    %dma_start3A_131 = arith.constant 0 : i32
    %dma_start3A_132 = arith.constant 0 : i32
    %dma_start3A_133 = tpu.memref_slice %arg3[%dma_start3A_125, %arg1, %add3A_124, %dma_start3A_131, %dma_start3A_132] : memref<2x16x80x2x128xi32, #tpu.memory_space<hbm>> -> memref<1x1x1x2x128xi32, #tpu.memory_space<hbm>>
    %dma_start3A_134 = tpu.memref_squeeze %dma_start3A_133 : memref<1x1x1x2x128xi32, #tpu.memory_space<hbm>> -> memref<2x128xi32, #tpu.memory_space<hbm>>
    %dma_start3A_135 = arith.constant 0 : i32
    %dma_start3A_136 = arith.constant 0 : i32
    %dma_start3A_137 = tpu.memref_slice %arg6[%dma_start3A_126, %dma_start3A_135, %dma_start3A_136] : memref<4x2x128xi32, #tpu.memory_space<vmem>> -> memref<1x2x128xi32, #tpu.memory_space<vmem>>
    %dma_start3A_138 = tpu.memref_squeeze %dma_start3A_137 : memref<1x2x128xi32, #tpu.memory_space<vmem>> -> memref<2x128xi32, #tpu.memory_space<vmem>>
    %dma_start3A_139 = arith.constant 0 : i32
    %dma_start3A_140 = arith.constant 0 : i32
    %dma_start3A_141 = tpu.memref_slice %arg3[%dma_start3A_125, %arg1, %add3A_124, %dma_start3A_139, %dma_start3A_140] : memref<2x16x80x2x128xi32, #tpu.memory_space<hbm>> -> memref<1x1x1x2x128xi32, #tpu.memory_space<hbm>>
    %dma_start3A_142 = tpu.memref_squeeze %dma_start3A_141 : memref<1x1x1x2x128xi32, #tpu.memory_space<hbm>> -> memref<2x128xi32, #tpu.memory_space<hbm>>
    tpu.enqueue_dma source(%dma_start3A_142 : memref<2x128xi32, #tpu.memory_space<hbm>>) target(%dma_start3A_138 : memref<2x128xi32, #tpu.memory_space<vmem>>) target_semaphore(%arg10 : memref<!tpu.dma_semaphore, #tpu.memory_space<semaphore_mem>>)
    %dma_wait3A_143 = arith.constant 0 : i32
    %dma_wait3A_144 = arith.constant 0 : i32
    %dma_wait3A_145 = arith.constant 0 : i32
    %dma_wait3A_146 = arith.constant 0 : i32
    %dma_wait3A_147 = arith.constant 0 : i32
    %dma_wait3A_148 = tpu.memref_slice %arg6[%dma_wait3A_145, %dma_wait3A_146, %dma_wait3A_147] : memref<4x2x128xi32, #tpu.memory_space<vmem>> -> memref<1x2x128xi32, #tpu.memory_space<vmem>>
    %dma_wait3A_149 = tpu.memref_squeeze %dma_wait3A_148 : memref<1x2x128xi32, #tpu.memory_space<vmem>> -> memref<2x128xi32, #tpu.memory_space<vmem>>
    %dma_wait3A_150 = arith.constant 0 : i32
    %dma_wait3A_151 = tpu.memref_slice %arg6[%dma_wait3A_143, %dma_wait3A_144, %dma_wait3A_150] : memref<4x2x128xi32, #tpu.memory_space<vmem>> -> memref<1x1x128xi32, #tpu.memory_space<vmem>>
    %dma_wait3A_152 = tpu.memref_squeeze %dma_wait3A_151 : memref<1x1x128xi32, #tpu.memory_space<vmem>> -> memref<128xi32, #tpu.memory_space<vmem>>
    %dma_wait3A_153 = arith.constant 0 : i32
    %dma_wait3A_154 = arith.constant 0 : i32
    %dma_wait3A_155 = tpu.memref_slice %arg2[%dma_wait3A_153, %dma_wait3A_154] : memref<20000x128xf32, #tpu.memory_space<hbm>> -> memref<20000x128xf32, #tpu.memory_space<hbm>>
    tpu.wait_indirect_dma semaphore(%arg10 : memref<!tpu.dma_semaphore, #tpu.memory_space<semaphore_mem>>) src(%dma_wait3A_155 : memref<20000x128xf32, #tpu.memory_space<hbm>>) dst(%dma_wait3A_149 : memref<2x128xi32, #tpu.memory_space<vmem>>)
    %min3A_156 = arith.constant 1 : i32
    %min3A_157 = arith.constant 39 : i32
    %min3A_158 = arith.minsi %min3A_156, %min3A_157 : i32
    %mul3A_159 = arith.constant 40 : i32
    %mul3A_160 = arith.muli %arg0, %mul3A_159 : i32
    %add3A_161 = arith.addi %mul3A_160, %min3A_158 : i32
    %dma_start3A_162 = arith.constant 1 : i32
    %dma_start3A_163 = arith.constant 1 : i32
    %dma_start3A_164 = arith.constant 0 : i32
    %dma_start3A_165 = arith.constant 0 : i32
    %dma_start3A_166 = tpu.memref_slice %arg6[%dma_start3A_163, %dma_start3A_164, %dma_start3A_165] : memref<4x2x128xi32, #tpu.memory_space<vmem>> -> memref<1x2x128xi32, #tpu.memory_space<vmem>>
    %dma_start3A_167 = tpu.memref_squeeze %dma_start3A_166 : memref<1x2x128xi32, #tpu.memory_space<vmem>> -> memref<2x128xi32, #tpu.memory_space<vmem>>
    %dma_start3A_168 = arith.constant 0 : i32
    %dma_start3A_169 = arith.constant 0 : i32
    %dma_start3A_170 = tpu.memref_slice %arg3[%dma_start3A_162, %arg1, %add3A_161, %dma_start3A_168, %dma_start3A_169] : memref<2x16x80x2x128xi32, #tpu.memory_space<hbm>> -> memref<1x1x1x2x128xi32, #tpu.memory_space<hbm>>
    %dma_start3A_171 = tpu.memref_squeeze %dma_start3A_170 : memref<1x1x1x2x128xi32, #tpu.memory_space<hbm>> -> memref<2x128xi32, #tpu.memory_space<hbm>>
    %dma_start3A_172 = arith.constant 0 : i32
    %dma_start3A_173 = arith.constant 0 : i32
    %dma_start3A_174 = tpu.memref_slice %arg6[%dma_start3A_163, %dma_start3A_172, %dma_start3A_173] : memref<4x2x128xi32, #tpu.memory_space<vmem>> -> memref<1x2x128xi32, #tpu.memory_space<vmem>>
    %dma_start3A_175 = tpu.memref_squeeze %dma_start3A_174 : memref<1x2x128xi32, #tpu.memory_space<vmem>> -> memref<2x128xi32, #tpu.memory_space<vmem>>
    %dma_start3A_176 = arith.constant 0 : i32
    %dma_start3A_177 = arith.constant 0 : i32
    %dma_start3A_178 = tpu.memref_slice %arg3[%dma_start3A_162, %arg1, %add3A_161, %dma_start3A_176, %dma_start3A_177] : memref<2x16x80x2x128xi32, #tpu.memory_space<hbm>> -> memref<1x1x1x2x128xi32, #tpu.memory_space<hbm>>
    %dma_start3A_179 = tpu.memref_squeeze %dma_start3A_178 : memref<1x1x1x2x128xi32, #tpu.memory_space<hbm>> -> memref<2x128xi32, #tpu.memory_space<hbm>>
    tpu.enqueue_dma source(%dma_start3A_179 : memref<2x128xi32, #tpu.memory_space<hbm>>) target(%dma_start3A_175 : memref<2x128xi32, #tpu.memory_space<vmem>>) target_semaphore(%arg10 : memref<!tpu.dma_semaphore, #tpu.memory_space<semaphore_mem>>)
    %barrier3A_180 = arith.constant 0 : index
    tpu.barrier barrier_id(%barrier3A_180)
    %dma_start3A_181 = arith.constant 0 : i32
    %dma_start3A_182 = arith.constant 0 : i32
    %dma_start3A_183 = arith.constant 0 : i32
    %dma_start3A_184 = arith.constant 0 : i32
    %dma_start3A_185 = arith.constant 0 : i32
    %dma_start3A_186 = tpu.memref_slice %arg7[%dma_start3A_183, %dma_start3A_184, %dma_start3A_185] : memref<2x128x128xf32, #tpu.memory_space<vmem>> -> memref<1x128x128xf32, #tpu.memory_space<vmem>>
    %dma_start3A_187 = tpu.memref_squeeze %dma_start3A_186 : memref<1x128x128xf32, #tpu.memory_space<vmem>> -> memref<128x128xf32, #tpu.memory_space<vmem>>
    %dma_start3A_188 = arith.constant 0 : i32
    %dma_start3A_189 = tpu.memref_slice %arg6[%dma_start3A_181, %dma_start3A_182, %dma_start3A_188] : memref<4x2x128xi32, #tpu.memory_space<vmem>> -> memref<1x1x128xi32, #tpu.memory_space<vmem>>
    %dma_start3A_190 = tpu.memref_squeeze %dma_start3A_189 : memref<1x1x128xi32, #tpu.memory_space<vmem>> -> memref<128xi32, #tpu.memory_space<vmem>>
    %dma_start3A_191 = arith.constant 0 : i32
    %dma_start3A_192 = arith.constant 0 : i32
    %dma_start3A_193 = tpu.memref_slice %arg2[%dma_start3A_191, %dma_start3A_192] : memref<20000x128xf32, #tpu.memory_space<hbm>> -> memref<20000x128xf32, #tpu.memory_space<hbm>>
    tpu.enqueue_indirect_dma source(%dma_start3A_193 : memref<20000x128xf32, #tpu.memory_space<hbm>>) target(%dma_start3A_187 : memref<128x128xf32, #tpu.memory_space<vmem>>) offsets(%dma_start3A_190 : memref<128xi32, #tpu.memory_space<vmem>>) semaphore(%arg9 : memref<!tpu.dma_semaphore, #tpu.memory_space<semaphore_mem>>)
    %scan3A_194 = arith.constant 0 : i32
    %scan3A_195 = arith.constant 0 : i32
    %scan3A_196 = arith.constant 40 : i32
    %scan3A_197 = arith.addi %scan3A_195, %scan3A_196 : i32
    %scan3A_198 = arith.constant 1 : i32
    scf.for %scan3A_245 = %scan3A_195 to %scan3A_197 step %scan3A_198  : i32 {
      %rem3A = arith.constant 2 : i32
      %rem3A_246 = arith.remsi %scan3A_245, %rem3A : i32
      %sub3A = arith.constant 1 : i32
      %sub3A_247 = arith.subi %sub3A, %rem3A_246 : i32
      %rem3A_248 = arith.constant 4 : i32
      %rem3A_249 = arith.remsi %scan3A_245, %rem3A_248 : i32
      %add3A_250 = arith.constant 1 : i32
      %add3A_251 = arith.addi %scan3A_245, %add3A_250 : i32
      %rem3A_252 = arith.constant 4 : i32
      %rem3A_253 = arith.remsi %add3A_251, %rem3A_252 : i32
      %dma_wait3A_254 = arith.constant 0 : i32
      %dma_wait3A_255 = arith.constant 0 : i32
      %dma_wait3A_256 = arith.constant 0 : i32
      %dma_wait3A_257 = arith.constant 0 : i32
      %dma_wait3A_258 = arith.constant 0 : i32
      %dma_wait3A_259 = tpu.memref_slice %arg6[%dma_wait3A_256, %dma_wait3A_257, %dma_wait3A_258] : memref<4x2x128xi32, #tpu.memory_space<vmem>> -> memref<1x2x128xi32, #tpu.memory_space<vmem>>
      %dma_wait3A_260 = tpu.memref_squeeze %dma_wait3A_259 : memref<1x2x128xi32, #tpu.memory_space<vmem>> -> memref<2x128xi32, #tpu.memory_space<vmem>>
      %dma_wait3A_261 = arith.constant 0 : i32
      %dma_wait3A_262 = tpu.memref_slice %arg6[%dma_wait3A_254, %dma_wait3A_255, %dma_wait3A_261] : memref<4x2x128xi32, #tpu.memory_space<vmem>> -> memref<1x1x128xi32, #tpu.memory_space<vmem>>
      %dma_wait3A_263 = tpu.memref_squeeze %dma_wait3A_262 : memref<1x1x128xi32, #tpu.memory_space<vmem>> -> memref<128xi32, #tpu.memory_space<vmem>>
      %dma_wait3A_264 = arith.constant 0 : i32
      %dma_wait3A_265 = arith.constant 0 : i32
      %dma_wait3A_266 = tpu.memref_slice %arg2[%dma_wait3A_264, %dma_wait3A_265] : memref<20000x128xf32, #tpu.memory_space<hbm>> -> memref<20000x128xf32, #tpu.memory_space<hbm>>
      tpu.wait_indirect_dma semaphore(%arg10 : memref<!tpu.dma_semaphore, #tpu.memory_space<semaphore_mem>>) src(%dma_wait3A_266 : memref<20000x128xf32, #tpu.memory_space<hbm>>) dst(%dma_wait3A_260 : memref<2x128xi32, #tpu.memory_space<vmem>>)
      %ge3A = arith.constant 1 : i32
      %ge3A_267 = arith.cmpi sge, %scan3A_245, %ge3A : i32
      %convert_element_type3A = arith.extui %ge3A_267 : i1 to i32
      %cond3A = arith.constant 0 : i32
      %cond3A_268 = arith.cmpi ne, %convert_element_type3A, %cond3A : i32
      scf.if %cond3A_268 {
        %dma_wait3A_332 = arith.constant 0 : i32
        %dma_wait3A_333 = arith.constant 0 : i32
        %dma_wait3A_334 = arith.constant 1 : i32
        %dma_wait3A_335 = arith.constant 0 : i32
        %dma_wait3A_336 = arith.constant 0 : i32
        %dma_wait3A_337 = tpu.memref_slice %arg7[%dma_wait3A_332, %dma_wait3A_335, %dma_wait3A_336] : memref<2x128x128xf32, #tpu.memory_space<vmem>> -> memref<1x128x128xf32, #tpu.memory_space<vmem>>
        %dma_wait3A_338 = tpu.memref_squeeze %dma_wait3A_337 : memref<1x128x128xf32, #tpu.memory_space<vmem>> -> memref<128x128xf32, #tpu.memory_space<vmem>>
        %dma_wait3A_339 = arith.constant 0 : i32
        %dma_wait3A_340 = tpu.memref_slice %arg6[%dma_wait3A_333, %dma_wait3A_334, %dma_wait3A_339] : memref<4x2x128xi32, #tpu.memory_space<vmem>> -> memref<1x1x128xi32, #tpu.memory_space<vmem>>
        %dma_wait3A_341 = tpu.memref_squeeze %dma_wait3A_340 : memref<1x1x128xi32, #tpu.memory_space<vmem>> -> memref<128xi32, #tpu.memory_space<vmem>>
        %dma_wait3A_342 = arith.constant 0 : i32
        %dma_wait3A_343 = arith.constant 0 : i32
        %dma_wait3A_344 = tpu.memref_slice %arg8[%dma_wait3A_342, %dma_wait3A_343] : memref<10240x128xf32, #tpu.memory_space<vmem_shared>> -> memref<10240x128xf32, #tpu.memory_space<vmem_shared>>
        tpu.wait_indirect_dma semaphore(%arg11 : memref<!tpu.dma_semaphore, #tpu.memory_space<semaphore_mem>>) src(%dma_wait3A_338 : memref<128x128xf32, #tpu.memory_space<vmem>>) dst(%dma_wait3A_344 : memref<10240x128xf32, #tpu.memory_space<vmem_shared>>)
      } else {
      }
      %dma_start3A_269 = arith.constant 0 : i32
      %dma_start3A_270 = arith.constant 0 : i32
      %dma_start3A_271 = arith.constant 0 : i32
      %dma_start3A_272 = tpu.memref_slice %arg7[%sub3A_247, %dma_start3A_270, %dma_start3A_271] : memref<2x128x128xf32, #tpu.memory_space<vmem>> -> memref<1x128x128xf32, #tpu.memory_space<vmem>>
      %dma_start3A_273 = tpu.memref_squeeze %dma_start3A_272 : memref<1x128x128xf32, #tpu.memory_space<vmem>> -> memref<128x128xf32, #tpu.memory_space<vmem>>
      %dma_start3A_274 = arith.constant 0 : i32
      %dma_start3A_275 = tpu.memref_slice %arg6[%rem3A_253, %dma_start3A_269, %dma_start3A_274] : memref<4x2x128xi32, #tpu.memory_space<vmem>> -> memref<1x1x128xi32, #tpu.memory_space<vmem>>
      %dma_start3A_276 = tpu.memref_squeeze %dma_start3A_275 : memref<1x1x128xi32, #tpu.memory_space<vmem>> -> memref<128xi32, #tpu.memory_space<vmem>>
      %dma_start3A_277 = arith.constant 0 : i32
      %dma_start3A_278 = arith.constant 0 : i32
      %dma_start3A_279 = tpu.memref_slice %arg2[%dma_start3A_277, %dma_start3A_278] : memref<20000x128xf32, #tpu.memory_space<hbm>> -> memref<20000x128xf32, #tpu.memory_space<hbm>>
      tpu.enqueue_indirect_dma source(%dma_start3A_279 : memref<20000x128xf32, #tpu.memory_space<hbm>>) target(%dma_start3A_273 : memref<128x128xf32, #tpu.memory_space<vmem>>) offsets(%dma_start3A_276 : memref<128xi32, #tpu.memory_space<vmem>>) semaphore(%arg9 : memref<!tpu.dma_semaphore, #tpu.memory_space<semaphore_mem>>)
      %dma_wait3A_280 = arith.constant 0 : i32
      %dma_wait3A_281 = arith.constant 0 : i32
      %dma_wait3A_282 = arith.constant 0 : i32
      %dma_wait3A_283 = arith.constant 0 : i32
      %dma_wait3A_284 = arith.constant 0 : i32
      %dma_wait3A_285 = tpu.memref_slice %arg7[%dma_wait3A_282, %dma_wait3A_283, %dma_wait3A_284] : memref<2x128x128xf32, #tpu.memory_space<vmem>> -> memref<1x128x128xf32, #tpu.memory_space<vmem>>
      %dma_wait3A_286 = tpu.memref_squeeze %dma_wait3A_285 : memref<1x128x128xf32, #tpu.memory_space<vmem>> -> memref<128x128xf32, #tpu.memory_space<vmem>>
      %dma_wait3A_287 = arith.constant 0 : i32
      %dma_wait3A_288 = tpu.memref_slice %arg6[%dma_wait3A_280, %dma_wait3A_281, %dma_wait3A_287] : memref<4x2x128xi32, #tpu.memory_space<vmem>> -> memref<1x1x128xi32, #tpu.memory_space<vmem>>
      %dma_wait3A_289 = tpu.memref_squeeze %dma_wait3A_288 : memref<1x1x128xi32, #tpu.memory_space<vmem>> -> memref<128xi32, #tpu.memory_space<vmem>>
      %dma_wait3A_290 = arith.constant 0 : i32
      %dma_wait3A_291 = arith.constant 0 : i32
      %dma_wait3A_292 = tpu.memref_slice %arg2[%dma_wait3A_290, %dma_wait3A_291] : memref<20000x128xf32, #tpu.memory_space<hbm>> -> memref<20000x128xf32, #tpu.memory_space<hbm>>
      tpu.wait_indirect_dma semaphore(%arg9 : memref<!tpu.dma_semaphore, #tpu.memory_space<semaphore_mem>>) src(%dma_wait3A_292 : memref<20000x128xf32, #tpu.memory_space<hbm>>) dst(%dma_wait3A_286 : memref<128x128xf32, #tpu.memory_space<vmem>>)
      %dma_start3A_293 = arith.constant 1 : i32
      %dma_start3A_294 = arith.constant 0 : i32
      %dma_start3A_295 = arith.constant 0 : i32
      %dma_start3A_296 = tpu.memref_slice %arg7[%rem3A_246, %dma_start3A_294, %dma_start3A_295] : memref<2x128x128xf32, #tpu.memory_space<vmem>> -> memref<1x128x128xf32, #tpu.memory_space<vmem>>
      %dma_start3A_297 = tpu.memref_squeeze %dma_start3A_296 : memref<1x128x128xf32, #tpu.memory_space<vmem>> -> memref<128x128xf32, #tpu.memory_space<vmem>>
      %dma_start3A_298 = arith.constant 0 : i32
      %dma_start3A_299 = tpu.memref_slice %arg6[%rem3A_249, %dma_start3A_293, %dma_start3A_298] : memref<4x2x128xi32, #tpu.memory_space<vmem>> -> memref<1x1x128xi32, #tpu.memory_space<vmem>>
      %dma_start3A_300 = tpu.memref_squeeze %dma_start3A_299 : memref<1x1x128xi32, #tpu.memory_space<vmem>> -> memref<128xi32, #tpu.memory_space<vmem>>
      %dma_start3A_301 = arith.constant 0 : i32
      %dma_start3A_302 = arith.constant 0 : i32
      %dma_start3A_303 = tpu.memref_slice %arg8[%dma_start3A_301, %dma_start3A_302] : memref<10240x128xf32, #tpu.memory_space<vmem_shared>> -> memref<10240x128xf32, #tpu.memory_space<vmem_shared>>
      tpu.enqueue_indirect_dma source(%dma_start3A_297 : memref<128x128xf32, #tpu.memory_space<vmem>>) target(%dma_start3A_303 : memref<10240x128xf32, #tpu.memory_space<vmem_shared>>) offsets(%dma_start3A_300 : memref<128xi32, #tpu.memory_space<vmem>>) semaphore(%arg11 : memref<!tpu.dma_semaphore, #tpu.memory_space<semaphore_mem>>) {add = true}
      %add3A_304 = arith.constant 2 : i32
      %add3A_305 = arith.addi %scan3A_245, %add3A_304 : i32
      %min3A_306 = arith.constant 39 : i32
      %min3A_307 = arith.minsi %add3A_305, %min3A_306 : i32
      %add3A_308 = arith.constant 2 : i32
      %add3A_309 = arith.addi %scan3A_245, %add3A_308 : i32
      %rem3A_310 = arith.constant 4 : i32
      %rem3A_311 = arith.remsi %add3A_309, %rem3A_310 : i32
      %mul3A_312 = arith.constant 40 : i32
      %mul3A_313 = arith.muli %arg0, %mul3A_312 : i32
      %add3A_314 = arith.addi %mul3A_313, %min3A_307 : i32
      %dma_start3A_315 = arith.constant 1 : i32
      %dma_start3A_316 = arith.constant 0 : i32
      %dma_start3A_317 = arith.constant 0 : i32
      %dma_start3A_318 = tpu.memref_slice %arg6[%rem3A_311, %dma_start3A_316, %dma_start3A_317] : memref<4x2x128xi32, #tpu.memory_space<vmem>> -> memref<1x2x128xi32, #tpu.memory_space<vmem>>
      %dma_start3A_319 = tpu.memref_squeeze %dma_start3A_318 : memref<1x2x128xi32, #tpu.memory_space<vmem>> -> memref<2x128xi32, #tpu.memory_space<vmem>>
      %dma_start3A_320 = arith.constant 0 : i32
      %dma_start3A_321 = arith.constant 0 : i32
      %dma_start3A_322 = tpu.memref_slice %arg3[%dma_start3A_315, %arg1, %add3A_314, %dma_start3A_320, %dma_start3A_321] : memref<2x16x80x2x128xi32, #tpu.memory_space<hbm>> -> memref<1x1x1x2x128xi32, #tpu.memory_space<hbm>>
      %dma_start3A_323 = tpu.memref_squeeze %dma_start3A_322 : memref<1x1x1x2x128xi32, #tpu.memory_space<hbm>> -> memref<2x128xi32, #tpu.memory_space<hbm>>
      %dma_start3A_324 = arith.constant 0 : i32
      %dma_start3A_325 = arith.constant 0 : i32
      %dma_start3A_326 = tpu.memref_slice %arg6[%rem3A_311, %dma_start3A_324, %dma_start3A_325] : memref<4x2x128xi32, #tpu.memory_space<vmem>> -> memref<1x2x128xi32, #tpu.memory_space<vmem>>
      %dma_start3A_327 = tpu.memref_squeeze %dma_start3A_326 : memref<1x2x128xi32, #tpu.memory_space<vmem>> -> memref<2x128xi32, #tpu.memory_space<vmem>>
      %dma_start3A_328 = arith.constant 0 : i32
      %dma_start3A_329 = arith.constant 0 : i32
      %dma_start3A_330 = tpu.memref_slice %arg3[%dma_start3A_315, %arg1, %add3A_314, %dma_start3A_328, %dma_start3A_329] : memref<2x16x80x2x128xi32, #tpu.memory_space<hbm>> -> memref<1x1x1x2x128xi32, #tpu.memory_space<hbm>>
      %dma_start3A_331 = tpu.memref_squeeze %dma_start3A_330 : memref<1x1x1x2x128xi32, #tpu.memory_space<hbm>> -> memref<2x128xi32, #tpu.memory_space<hbm>>
      tpu.enqueue_dma source(%dma_start3A_331 : memref<2x128xi32, #tpu.memory_space<hbm>>) target(%dma_start3A_327 : memref<2x128xi32, #tpu.memory_space<vmem>>) target_semaphore(%arg10 : memref<!tpu.dma_semaphore, #tpu.memory_space<semaphore_mem>>)
    }
    %scan3A_199 = arith.constant 40 : i32
    %dma_wait3A_200 = arith.constant 0 : i32
    %dma_wait3A_201 = arith.constant 0 : i32
    %dma_wait3A_202 = arith.constant 0 : i32
    %dma_wait3A_203 = arith.constant 0 : i32
    %dma_wait3A_204 = arith.constant 0 : i32
    %dma_wait3A_205 = tpu.memref_slice %arg6[%dma_wait3A_202, %dma_wait3A_203, %dma_wait3A_204] : memref<4x2x128xi32, #tpu.memory_space<vmem>> -> memref<1x2x128xi32, #tpu.memory_space<vmem>>
    %dma_wait3A_206 = tpu.memref_squeeze %dma_wait3A_205 : memref<1x2x128xi32, #tpu.memory_space<vmem>> -> memref<2x128xi32, #tpu.memory_space<vmem>>
    %dma_wait3A_207 = arith.constant 0 : i32
    %dma_wait3A_208 = tpu.memref_slice %arg6[%dma_wait3A_200, %dma_wait3A_201, %dma_wait3A_207] : memref<4x2x128xi32, #tpu.memory_space<vmem>> -> memref<1x1x128xi32, #tpu.memory_space<vmem>>
    %dma_wait3A_209 = tpu.memref_squeeze %dma_wait3A_208 : memref<1x1x128xi32, #tpu.memory_space<vmem>> -> memref<128xi32, #tpu.memory_space<vmem>>
    %dma_wait3A_210 = arith.constant 0 : i32
    %dma_wait3A_211 = arith.constant 0 : i32
    %dma_wait3A_212 = tpu.memref_slice %arg2[%dma_wait3A_210, %dma_wait3A_211] : memref<20000x128xf32, #tpu.memory_space<hbm>> -> memref<20000x128xf32, #tpu.memory_space<hbm>>
    tpu.wait_indirect_dma semaphore(%arg10 : memref<!tpu.dma_semaphore, #tpu.memory_space<semaphore_mem>>) src(%dma_wait3A_212 : memref<20000x128xf32, #tpu.memory_space<hbm>>) dst(%dma_wait3A_206 : memref<2x128xi32, #tpu.memory_space<vmem>>)
    %dma_wait3A_213 = arith.constant 0 : i32
    %dma_wait3A_214 = arith.constant 0 : i32
    %dma_wait3A_215 = arith.constant 0 : i32
    %dma_wait3A_216 = arith.constant 0 : i32
    %dma_wait3A_217 = arith.constant 0 : i32
    %dma_wait3A_218 = tpu.memref_slice %arg7[%dma_wait3A_215, %dma_wait3A_216, %dma_wait3A_217] : memref<2x128x128xf32, #tpu.memory_space<vmem>> -> memref<1x128x128xf32, #tpu.memory_space<vmem>>
    %dma_wait3A_219 = tpu.memref_squeeze %dma_wait3A_218 : memref<1x128x128xf32, #tpu.memory_space<vmem>> -> memref<128x128xf32, #tpu.memory_space<vmem>>
    %dma_wait3A_220 = arith.constant 0 : i32
    %dma_wait3A_221 = tpu.memref_slice %arg6[%dma_wait3A_213, %dma_wait3A_214, %dma_wait3A_220] : memref<4x2x128xi32, #tpu.memory_space<vmem>> -> memref<1x1x128xi32, #tpu.memory_space<vmem>>
    %dma_wait3A_222 = tpu.memref_squeeze %dma_wait3A_221 : memref<1x1x128xi32, #tpu.memory_space<vmem>> -> memref<128xi32, #tpu.memory_space<vmem>>
    %dma_wait3A_223 = arith.constant 0 : i32
    %dma_wait3A_224 = arith.constant 0 : i32
    %dma_wait3A_225 = tpu.memref_slice %arg2[%dma_wait3A_223, %dma_wait3A_224] : memref<20000x128xf32, #tpu.memory_space<hbm>> -> memref<20000x128xf32, #tpu.memory_space<hbm>>
    tpu.wait_indirect_dma semaphore(%arg9 : memref<!tpu.dma_semaphore, #tpu.memory_space<semaphore_mem>>) src(%dma_wait3A_225 : memref<20000x128xf32, #tpu.memory_space<hbm>>) dst(%dma_wait3A_219 : memref<128x128xf32, #tpu.memory_space<vmem>>)
    %dma_wait3A_226 = arith.constant 0 : i32
    %dma_wait3A_227 = arith.constant 0 : i32
    %dma_wait3A_228 = arith.constant 1 : i32
    %dma_wait3A_229 = arith.constant 0 : i32
    %dma_wait3A_230 = arith.constant 0 : i32
    %dma_wait3A_231 = tpu.memref_slice %arg7[%dma_wait3A_226, %dma_wait3A_229, %dma_wait3A_230] : memref<2x128x128xf32, #tpu.memory_space<vmem>> -> memref<1x128x128xf32, #tpu.memory_space<vmem>>
    %dma_wait3A_232 = tpu.memref_squeeze %dma_wait3A_231 : memref<1x128x128xf32, #tpu.memory_space<vmem>> -> memref<128x128xf32, #tpu.memory_space<vmem>>
    %dma_wait3A_233 = arith.constant 0 : i32
    %dma_wait3A_234 = tpu.memref_slice %arg6[%dma_wait3A_227, %dma_wait3A_228, %dma_wait3A_233] : memref<4x2x128xi32, #tpu.memory_space<vmem>> -> memref<1x1x128xi32, #tpu.memory_space<vmem>>
    %dma_wait3A_235 = tpu.memref_squeeze %dma_wait3A_234 : memref<1x1x128xi32, #tpu.memory_space<vmem>> -> memref<128xi32, #tpu.memory_space<vmem>>
    %dma_wait3A_236 = arith.constant 0 : i32
    %dma_wait3A_237 = arith.constant 0 : i32
    %dma_wait3A_238 = tpu.memref_slice %arg8[%dma_wait3A_236, %dma_wait3A_237] : memref<10240x128xf32, #tpu.memory_space<vmem_shared>> -> memref<10240x128xf32, #tpu.memory_space<vmem_shared>>
    tpu.wait_indirect_dma semaphore(%arg11 : memref<!tpu.dma_semaphore, #tpu.memory_space<semaphore_mem>>) src(%dma_wait3A_232 : memref<128x128xf32, #tpu.memory_space<vmem>>) dst(%dma_wait3A_238 : memref<10240x128xf32, #tpu.memory_space<vmem_shared>>)
    %barrier3A_239 = arith.constant 0 : index
    tpu.barrier barrier_id(%barrier3A_239)
    %mul3A_240 = arith.constant 640 : i32
    %mul3A_241 = arith.muli %arg1, %mul3A_240 : i32
    %mul3A_242 = arith.constant 640 : i32
    %mul3A_243 = arith.muli %arg1, %mul3A_242 : i32
    %run_scoped3A_244 = arith.constant 1 : i32
    "tpu.region"() ({
      %run_scoped3A_245 = tpu.sem_alloc : memref<!tpu.dma_semaphore, #tpu.memory_space<semaphore_mem>>
      %dma_start3A_246 = arith.constant 0 : i32
      %dma_start3A_247 = tpu.memref_slice %arg5[%run_scoped3A_244, %arg0, %mul3A_243, %dma_start3A_246] : memref<2x2x10240x128xf32, #tpu.memory_space<hbm>> -> memref<1x1x640x128xf32, #tpu.memory_space<hbm>>
      %dma_start3A_248 = tpu.memref_squeeze %dma_start3A_247 : memref<1x1x640x128xf32, #tpu.memory_space<hbm>> -> memref<640x128xf32, #tpu.memory_space<hbm>>
      %dma_start3A_249 = arith.constant 0 : i32
      %dma_start3A_250 = tpu.memref_slice %arg8[%mul3A_241, %dma_start3A_249] : memref<10240x128xf32, #tpu.memory_space<vmem_shared>> -> memref<640x128xf32, #tpu.memory_space<vmem_shared>>
      tpu.enqueue_dma source(%dma_start3A_250 : memref<640x128xf32, #tpu.memory_space<vmem_shared>>) target(%dma_start3A_248 : memref<640x128xf32, #tpu.memory_space<hbm>>) target_semaphore(%run_scoped3A_245 : memref<!tpu.dma_semaphore, #tpu.memory_space<semaphore_mem>>)
      %dma_wait3A_251 = arith.constant 0 : i32
      %dma_wait3A_252 = tpu.memref_slice %arg5[%run_scoped3A_244, %arg0, %mul3A_243, %dma_wait3A_251] : memref<2x2x10240x128xf32, #tpu.memory_space<hbm>> -> memref<1x1x640x128xf32, #tpu.memory_space<hbm>>
      %dma_wait3A_253 = tpu.memref_squeeze %dma_wait3A_252 : memref<1x1x640x128xf32, #tpu.memory_space<hbm>> -> memref<640x128xf32, #tpu.memory_space<hbm>>
      %dma_wait3A_254 = arith.constant 0 : i32
      %dma_wait3A_255 = tpu.memref_slice %arg8[%mul3A_241, %dma_wait3A_254] : memref<10240x128xf32, #tpu.memory_space<vmem_shared>> -> memref<640x128xf32, #tpu.memory_space<vmem_shared>>
      tpu.wait_dma2 semaphore(%run_scoped3A_245 : memref<!tpu.dma_semaphore, #tpu.memory_space<semaphore_mem>>) src(%dma_wait3A_255 : memref<640x128xf32, #tpu.memory_space<vmem_shared>>) dst(%dma_wait3A_253 : memref<640x128xf32, #tpu.memory_space<hbm>>)
      tpu.yield
    }) : () -> ()
    return
  }
}

module attributes {stable_mosaic.version = 14 : i64} {
  func.func @body(%arg0: i32, %arg1: i32, %arg2: memref<1000x256xf32, #tpu.memory_space<vmem>>, %arg3: memref<256x128xf32, #tpu.memory_space<vmem>>, %arg4: memref<1x1000x128xf32, #tpu.memory_space<vmem>>) attributes {dimension_semantics = [#tpu.dimension_semantics<arbitrary>, #tpu.dimension_semantics<arbitrary>], iteration_bounds = array<i64: 2, 10>, scalar_prefetch = 0 : i64, scratch_operands = 0 : i64, tpu.core_type = #tpu.core_type<tc>, window_params = [{transform_indices = @transform_0, window_bounds = array<i64: 1000, 256>}, {transform_indices = @transform_1, window_bounds = array<i64: 256, 128>}, {transform_indices = @transform_2, window_bounds = array<i64: 1, 1000, 128>}]} {
    %get3A = arith.constant 0 : index
    %get3A_0 = arith.constant 0 : index
    %get3A_1 = vector.load %arg2[%get3A, %get3A_0] : memref<1000x256xf32, #tpu.memory_space<vmem>>, vector<1000x256xf32>
    %get3A_2 = arith.constant 0 : index
    %get3A_3 = arith.constant 0 : index
    %get3A_4 = vector.load %arg3[%get3A_2, %get3A_3] : memref<256x128xf32, #tpu.memory_space<vmem>>, vector<256x128xf32>
    %dot_general3A = arith.constant dense<0.000000e+00> : vector<1000x128xf32>
    %dot_general3A_5 = tpu.matmul %get3A_1, %get3A_4, %dot_general3A {dimension_numbers = #tpu.dot_dimension_numbers<[1], [0], [0], [1], [0, 0, 1, 1], [], []>, transpose_lhs_hint = false} : vector<1000x256xf32>, vector<256x128xf32>, vector<1000x128xf32> -> vector<1000x128xf32>
    %swap3A = arith.constant 0 : index
    %swap3A_6 = arith.constant 0 : index
    %swap3A_7 = arith.constant 0 : index
    %swap3A_8 = vector.load %arg4[%swap3A, %swap3A_6, %swap3A_7] : memref<1x1000x128xf32, #tpu.memory_space<vmem>>, vector<1x1000x128xf32>
    %swap3A_9 = vector.shape_cast %swap3A_8 : vector<1x1000x128xf32> to vector<1000x128xf32>
    %swap3A_10 = vector.shape_cast %dot_general3A_5 : vector<1000x128xf32> to vector<1x1000x128xf32>
    tpu.vector_store %arg4[%swap3A, %swap3A_6, %swap3A_7], %swap3A_10 {strides = array<i32>} : memref<1x1000x128xf32, #tpu.memory_space<vmem>>, vector<1x1000x128xf32>,
    return
  }
  func.func @transform_0(%arg0: i32, %arg1: i32) -> (i32, i32) {
    %c0_i32 = arith.constant 0 : i32
    %c0_i32_0 = arith.constant 0 : i32
    return %arg1, %c0_i32 : i32, i32
  }
  func.func @transform_1(%arg0: i32, %arg1: i32) -> (i32, i32) {
    %c0_i32 = arith.constant 0 : i32
    %c0_i32_0 = arith.constant 0 : i32
    return %c0_i32, %arg0 : i32, i32
  }
  func.func @transform_2(%arg0: i32, %arg1: i32) -> (i32, i32, i32) {
    %c0_i32 = arith.constant 0 : i32
    %c0_i32_0 = arith.constant 0 : i32
    return %arg0, %arg1, %c0_i32 : i32, i32, i32
  }
}

module attributes {stable_mosaic.version = 14 : i64} {
  func.func @body(%arg0: i32, %arg1: i32, %arg2: memref<1x1000x128xf32, #tpu.memory_space<vmem>>, %arg3: memref<2x1000x128xf32, #tpu.memory_space<vmem>>, %arg4: memref<1x1000x128xf32, #tpu.memory_space<vmem>>, %arg5: memref<1000x1xf32, #tpu.memory_space<vmem>>) attributes {dimension_semantics = [#tpu.dimension_semantics<arbitrary>, #tpu.dimension_semantics<arbitrary>], iteration_bounds = array<i64: 2, 10>, scalar_prefetch = 0 : i64, scratch_operands = 0 : i64, tpu.core_type = #tpu.core_type<tc>, window_params = [{transform_indices = @transform_0, window_bounds = array<i64: 1, 1000, 128>}, {transform_indices = @transform_1, window_bounds = array<i64: 2, 1000, 128>}, {transform_indices = @transform_2, window_bounds = array<i64: 1, 1000, 128>}, {transform_indices = @transform_3, window_bounds = array<i64: 1000, 1>}]} {
    %get3A = arith.constant 0 : index
    %get3A_0 = arith.constant 0 : index
    %get3A_1 = arith.constant 0 : index
    %get3A_2 = vector.load %arg3[%get3A, %get3A_0, %get3A_1] : memref<2x1000x128xf32, #tpu.memory_space<vmem>>, vector<1x1000x1xf32>
    %get3A_3 = vector.shape_cast %get3A_2 : vector<1x1000x1xf32> to vector<1000x1xf32>
    %get3A_4 = arith.constant 1 : index
    %get3A_5 = arith.constant 0 : index
    %get3A_6 = arith.constant 0 : index
    %get3A_7 = vector.load %arg3[%get3A_4, %get3A_5, %get3A_6] : memref<2x1000x128xf32, #tpu.memory_space<vmem>>, vector<1x1000x1xf32>
    %get3A_8 = vector.shape_cast %get3A_7 : vector<1x1000x1xf32> to vector<1000x1xf32>
    %add3A = arith.addf %get3A_3, %get3A_8 : vector<1000x1xf32>
    %add3A_9 = arith.constant 1.000000e+00 : f32
    %add3A_10 = vector.broadcast %add3A_9 : f32 to vector<1000x1xf32>
    %add3A_11 = arith.addf %add3A, %add3A_10 : vector<1000x1xf32>
    %rsqrt3A = math.rsqrt %add3A_11 : vector<1000x1xf32>
    %get3A_12 = arith.constant 0 : index
    %get3A_13 = arith.constant 0 : index
    %get3A_14 = arith.constant 0 : index
    %get3A_15 = vector.load %arg2[%get3A_12, %get3A_13, %get3A_14] : memref<1x1000x128xf32, #tpu.memory_space<vmem>>, vector<1x1000x128xf32>
    %get3A_16 = vector.shape_cast %get3A_15 : vector<1x1000x128xf32> to vector<1000x128xf32>
    %mul3A = vector.broadcast %rsqrt3A : vector<1000x1xf32> to vector<1000x128xf32>
    %mul3A_17 = arith.mulf %get3A_16, %mul3A : vector<1000x128xf32>
    %swap3A = arith.constant 0 : index
    %swap3A_18 = arith.constant 0 : index
    %swap3A_19 = arith.constant 0 : index
    %swap3A_20 = vector.load %arg4[%swap3A, %swap3A_18, %swap3A_19] : memref<1x1000x128xf32, #tpu.memory_space<vmem>>, vector<1x1000x128xf32>
    %swap3A_21 = vector.shape_cast %swap3A_20 : vector<1x1000x128xf32> to vector<1000x128xf32>
    %swap3A_22 = vector.shape_cast %mul3A_17 : vector<1000x128xf32> to vector<1x1000x128xf32>
    tpu.vector_store %arg4[%swap3A, %swap3A_18, %swap3A_19], %swap3A_22 {strides = array<i32>} : memref<1x1000x128xf32, #tpu.memory_space<vmem>>, vector<1x1000x128xf32>,
    %swap3A_23 = arith.constant 0 : index
    %swap3A_24 = arith.constant 0 : index
    %swap3A_25 = vector.load %arg5[%swap3A_23, %swap3A_24] : memref<1000x1xf32, #tpu.memory_space<vmem>>, vector<1000x1xf32>
    tpu.vector_store %arg5[%swap3A_23, %swap3A_24], %rsqrt3A {strides = array<i32>} : memref<1000x1xf32, #tpu.memory_space<vmem>>, vector<1000x1xf32>,
    return
  }
  func.func @transform_0(%arg0: i32, %arg1: i32) -> (i32, i32, i32) {
    %c0_i32 = arith.constant 0 : i32
    %c0_i32_0 = arith.constant 0 : i32
    return %arg0, %arg1, %c0_i32 : i32, i32, i32
  }
  func.func @transform_1(%arg0: i32, %arg1: i32) -> (i32, i32, i32) {
    %c0_i32 = arith.constant 0 : i32
    %c0_i32_0 = arith.constant 0 : i32
    %c0_i32_1 = arith.constant 0 : i32
    return %c0_i32, %arg1, %c0_i32_0 : i32, i32, i32
  }
  func.func @transform_2(%arg0: i32, %arg1: i32) -> (i32, i32, i32) {
    %c0_i32 = arith.constant 0 : i32
    %c0_i32_0 = arith.constant 0 : i32
    return %arg0, %arg1, %c0_i32 : i32, i32, i32
  }
  func.func @transform_3(%arg0: i32, %arg1: i32) -> (i32, i32) {
    %c0_i32 = arith.constant 0 : i32
    %c0_i32_0 = arith.constant 0 : i32
    return %arg1, %c0_i32 : i32, i32
  }
}

module attributes {stable_mosaic.version = 14 : i64} {
  func.func @body(%arg0: i32, %arg1: memref<1x2x10240x128xf32, #tpu.memory_space<vmem>>, %arg2: memref<1x10000x128xf32, #tpu.memory_space<vmem>>, %arg3: memref<10000x1xf32, #tpu.memory_space<vmem>>, %arg4: memref<1x1x128xf32, #tpu.memory_space<vmem>>, %arg5: memref<1x1x128xf32, #tpu.memory_space<vmem>>, %arg6: memref<1x1x128xf32, #tpu.memory_space<vmem>>, %arg7: memref<128x128xf32, #tpu.memory_space<vmem>>, %arg8: memref<10000x128xf32, #tpu.memory_space<vmem>>) attributes {dimension_semantics = [#tpu.dimension_semantics<arbitrary>], iteration_bounds = array<i64: 2>, scalar_prefetch = 0 : i64, scratch_operands = 0 : i64, tpu.core_type = #tpu.core_type<tc>, window_params = [{transform_indices = @transform_0, window_bounds = array<i64: 1, 2, 10240, 128>}, {transform_indices = @transform_1, window_bounds = array<i64: 1, 10000, 128>}, {pipeline_mode = #tpu.pipeline_mode<synchronous>, transform_indices = @transform_2, window_bounds = array<i64: 10000, 1>}, {transform_indices = @transform_3, window_bounds = array<i64: 1, 1, 128>}, {transform_indices = @transform_4, window_bounds = array<i64: 1, 1, 128>}, {transform_indices = @transform_5, window_bounds = array<i64: 1, 1, 128>}, {transform_indices = @transform_6, window_bounds = array<i64: 128, 128>}, {pipeline_mode = #tpu.pipeline_mode<synchronous>, transform_indices = @transform_7, window_bounds = array<i64: 10000, 128>}]} {
    %get3A = arith.constant 0 : index
    %get3A_0 = arith.constant 0 : index
    %get3A_1 = vector.load %arg3[%get3A, %get3A_0] : memref<10000x1xf32, #tpu.memory_space<vmem>>, vector<10000x1xf32>
    %get3A_2 = arith.constant 0 : index
    %get3A_3 = arith.constant 0 : index
    %get3A_4 = arith.constant 0 : index
    %get3A_5 = arith.constant 0 : index
    %get3A_6 = vector.load %arg1[%get3A_2, %get3A_3, %get3A_4, %get3A_5] : memref<1x2x10240x128xf32, #tpu.memory_space<vmem>>, vector<1x1x10000x128xf32>
    %get3A_7 = vector.shape_cast %get3A_6 : vector<1x1x10000x128xf32> to vector<10000x128xf32>
    %get3A_8 = arith.constant 0 : index
    %get3A_9 = arith.constant 1 : index
    %get3A_10 = arith.constant 0 : index
    %get3A_11 = arith.constant 0 : index
    %get3A_12 = vector.load %arg1[%get3A_8, %get3A_9, %get3A_10, %get3A_11] : memref<1x2x10240x128xf32, #tpu.memory_space<vmem>>, vector<1x1x10000x128xf32>
    %get3A_13 = vector.shape_cast %get3A_12 : vector<1x1x10000x128xf32> to vector<10000x128xf32>
    %add3A = arith.addf %get3A_7, %get3A_13 : vector<10000x128xf32>
    %get3A_14 = arith.constant 0 : index
    %get3A_15 = arith.constant 0 : index
    %get3A_16 = arith.constant 0 : index
    %get3A_17 = vector.load %arg2[%get3A_14, %get3A_15, %get3A_16] : memref<1x10000x128xf32, #tpu.memory_space<vmem>>, vector<1x10000x128xf32>
    %get3A_18 = vector.shape_cast %get3A_17 : vector<1x10000x128xf32> to vector<10000x128xf32>
    %add3A_19 = arith.addf %add3A, %get3A_18 : vector<10000x128xf32>
    %mul3A = vector.broadcast %get3A_1 : vector<10000x1xf32> to vector<10000x128xf32>
    %mul3A_20 = arith.mulf %add3A_19, %mul3A : vector<10000x128xf32>
    %get3A_21 = arith.constant 0 : index
    %get3A_22 = arith.constant 0 : index
    %get3A_23 = arith.constant 0 : index
    %get3A_24 = vector.load %arg4[%get3A_21, %get3A_22, %get3A_23] : memref<1x1x128xf32, #tpu.memory_space<vmem>>, vector<1x1x128xf32>
    %get3A_25 = vector.shape_cast %get3A_24 : vector<1x1x128xf32> to vector<128xf32>
    %broadcast_in_dim3A = vector.shape_cast %get3A_25 : vector<128xf32> to vector<1x128xf32>
    %add3A_26 = vector.broadcast %broadcast_in_dim3A : vector<1x128xf32> to vector<10000x128xf32>
    %add3A_27 = arith.addf %mul3A_20, %add3A_26 : vector<10000x128xf32>
    %reduce_sum3A = arith.constant dense<0.000000e+00> : vector<128xf32>
    %reduce_sum3A_28 = vector.multi_reduction <add>, %add3A_27, %reduce_sum3A [0] : vector<10000x128xf32> to vector<128xf32>
    %broadcast_in_dim3A_29 = vector.shape_cast %reduce_sum3A_28 : vector<128xf32> to vector<1x128xf32>
    %div3A = arith.constant 1.000000e+04 : f32
    %div3A_30 = vector.broadcast %div3A : f32 to vector<1x128xf32>
    %div3A_31 = arith.divf %broadcast_in_dim3A_29, %div3A_30 : vector<1x128xf32>
    %mul3A_32 = arith.mulf %add3A_27, %add3A_27 : vector<10000x128xf32>
    %reduce_sum3A_33 = arith.constant dense<0.000000e+00> : vector<128xf32>
    %reduce_sum3A_34 = vector.multi_reduction <add>, %mul3A_32, %reduce_sum3A_33 [0] : vector<10000x128xf32> to vector<128xf32>
    %broadcast_in_dim3A_35 = vector.shape_cast %reduce_sum3A_34 : vector<128xf32> to vector<1x128xf32>
    %div3A_36 = arith.constant 1.000000e+04 : f32
    %div3A_37 = vector.broadcast %div3A_36 : f32 to vector<1x128xf32>
    %div3A_38 = arith.divf %broadcast_in_dim3A_35, %div3A_37 : vector<1x128xf32>
    %mul3A_39 = arith.mulf %div3A_31, %div3A_31 : vector<1x128xf32>
    %sub3A = arith.subf %div3A_38, %mul3A_39 : vector<1x128xf32>
    %sub3A_40 = vector.broadcast %div3A_31 : vector<1x128xf32> to vector<10000x128xf32>
    %sub3A_41 = arith.subf %add3A_27, %sub3A_40 : vector<10000x128xf32>
    %add3A_42 = arith.constant 9.99999974E-6 : f32
    %add3A_43 = vector.broadcast %add3A_42 : f32 to vector<1x128xf32>
    %add3A_44 = arith.addf %sub3A, %add3A_43 : vector<1x128xf32>
    %rsqrt3A = math.rsqrt %add3A_44 : vector<1x128xf32>
    %mul3A_45 = vector.broadcast %rsqrt3A : vector<1x128xf32> to vector<10000x128xf32>
    %mul3A_46 = arith.mulf %sub3A_41, %mul3A_45 : vector<10000x128xf32>
    %get3A_47 = arith.constant 0 : index
    %get3A_48 = arith.constant 0 : index
    %get3A_49 = arith.constant 0 : index
    %get3A_50 = vector.load %arg5[%get3A_47, %get3A_48, %get3A_49] : memref<1x1x128xf32, #tpu.memory_space<vmem>>, vector<1x1x128xf32>
    %get3A_51 = vector.shape_cast %get3A_50 : vector<1x1x128xf32> to vector<128xf32>
    %broadcast_in_dim3A_52 = vector.shape_cast %get3A_51 : vector<128xf32> to vector<1x128xf32>
    %mul3A_53 = vector.broadcast %broadcast_in_dim3A_52 : vector<1x128xf32> to vector<10000x128xf32>
    %mul3A_54 = arith.mulf %mul3A_46, %mul3A_53 : vector<10000x128xf32>
    %get3A_55 = arith.constant 0 : index
    %get3A_56 = arith.constant 0 : index
    %get3A_57 = arith.constant 0 : index
    %get3A_58 = vector.load %arg6[%get3A_55, %get3A_56, %get3A_57] : memref<1x1x128xf32, #tpu.memory_space<vmem>>, vector<1x1x128xf32>
    %get3A_59 = vector.shape_cast %get3A_58 : vector<1x1x128xf32> to vector<128xf32>
    %broadcast_in_dim3A_60 = vector.shape_cast %get3A_59 : vector<128xf32> to vector<1x128xf32>
    %add3A_61 = vector.broadcast %broadcast_in_dim3A_60 : vector<1x128xf32> to vector<10000x128xf32>
    %add3A_62 = arith.addf %mul3A_54, %add3A_61 : vector<10000x128xf32>
    %max3A = arith.constant 0.000000e+00 : f32
    %max3A_63 = vector.broadcast %max3A : f32 to vector<10000x128xf32>
    %max3A_64 = arith.maximumf %add3A_62, %max3A_63 : vector<10000x128xf32>
    %get3A_65 = arith.constant 0 : index
    %get3A_66 = arith.constant 0 : index
    %get3A_67 = vector.load %arg7[%get3A_65, %get3A_66] : memref<128x128xf32, #tpu.memory_space<vmem>>, vector<128x128xf32>
    %dot_general3A = arith.constant dense<0.000000e+00> : vector<10000x128xf32>
    %dot_general3A_68 = tpu.matmul %max3A_64, %get3A_67, %dot_general3A {dimension_numbers = #tpu.dot_dimension_numbers<[1], [0], [0], [1], [0, 0, 1, 1], [], []>, transpose_lhs_hint = false} : vector<10000x128xf32>, vector<128x128xf32>, vector<10000x128xf32> -> vector<10000x128xf32>
    %eq3A = arith.constant 0 : i32
    %eq3A_69 = arith.cmpi eq, %arg0, %eq3A : i32
    %convert_element_type3A = arith.extui %eq3A_69 : i1 to i32
    %cond3A = arith.constant 0 : i32
    %cond3A_70 = arith.cmpi ne, %convert_element_type3A, %cond3A : i32
    scf.if %cond3A_70 {
      %swap3A = arith.constant 0 : index
      %swap3A_76 = arith.constant 0 : index
      %swap3A_77 = vector.load %arg8[%swap3A, %swap3A_76] : memref<10000x128xf32, #tpu.memory_space<vmem>>, vector<10000x128xf32>
      tpu.vector_store %arg8[%swap3A, %swap3A_76], %dot_general3A_68 {strides = array<i32>} : memref<10000x128xf32, #tpu.memory_space<vmem>>, vector<10000x128xf32>,
    } else {
    }
    %eq3A_71 = arith.constant 1 : i32
    %eq3A_72 = arith.cmpi eq, %arg0, %eq3A_71 : i32
    %convert_element_type3A_73 = arith.extui %eq3A_72 : i1 to i32
    %cond3A_74 = arith.constant 0 : i32
    %cond3A_75 = arith.cmpi ne, %convert_element_type3A_73, %cond3A_74 : i32
    scf.if %cond3A_75 {
      %get3A_76 = arith.constant 0 : index
      %get3A_77 = arith.constant 0 : index
      %get3A_78 = vector.load %arg8[%get3A_76, %get3A_77] : memref<10000x128xf32, #tpu.memory_space<vmem>>, vector<10000x128xf32>
      %add3A_79 = arith.addf %get3A_78, %dot_general3A_68 : vector<10000x128xf32>
      %mul3A_80 = vector.broadcast %get3A_1 : vector<10000x1xf32> to vector<10000x128xf32>
      %mul3A_81 = arith.mulf %add3A_79, %mul3A_80 : vector<10000x128xf32>
      %swap3A = arith.constant 0 : index
      %swap3A_82 = arith.constant 0 : index
      %swap3A_83 = vector.load %arg8[%swap3A, %swap3A_82] : memref<10000x128xf32, #tpu.memory_space<vmem>>, vector<10000x128xf32>
      tpu.vector_store %arg8[%swap3A, %swap3A_82], %mul3A_81 {strides = array<i32>} : memref<10000x128xf32, #tpu.memory_space<vmem>>, vector<10000x128xf32>,
    } else {
    }
    return
  }
  func.func @transform_0(%arg0: i32) -> (i32, i32, i32, i32) {
    %c0_i32 = arith.constant 0 : i32
    %c0_i32_0 = arith.constant 0 : i32
    %c0_i32_1 = arith.constant 0 : i32
    %c0_i32_2 = arith.constant 0 : i32
    return %arg0, %c0_i32, %c0_i32_0, %c0_i32_1 : i32, i32, i32, i32
  }
  func.func @transform_1(%arg0: i32) -> (i32, i32, i32) {
    %c0_i32 = arith.constant 0 : i32
    %c0_i32_0 = arith.constant 0 : i32
    %c0_i32_1 = arith.constant 0 : i32
    return %arg0, %c0_i32, %c0_i32_0 : i32, i32, i32
  }
  func.func @transform_2(%arg0: i32) -> (i32, i32) {
    %c0_i32 = arith.constant 0 : i32
    %c0_i32_0 = arith.constant 0 : i32
    %c0_i32_1 = arith.constant 0 : i32
    return %c0_i32, %c0_i32_0 : i32, i32
  }
  func.func @transform_3(%arg0: i32) -> (i32, i32, i32) {
    %c0_i32 = arith.constant 0 : i32
    %c0_i32_0 = arith.constant 0 : i32
    %c0_i32_1 = arith.constant 0 : i32
    return %arg0, %c0_i32, %c0_i32_0 : i32, i32, i32
  }
  func.func @transform_4(%arg0: i32) -> (i32, i32, i32) {
    %c0_i32 = arith.constant 0 : i32
    %c0_i32_0 = arith.constant 0 : i32
    %c0_i32_1 = arith.constant 0 : i32
    return %arg0, %c0_i32, %c0_i32_0 : i32, i32, i32
  }
  func.func @transform_5(%arg0: i32) -> (i32, i32, i32) {
    %c0_i32 = arith.constant 0 : i32
    %c0_i32_0 = arith.constant 0 : i32
    %c0_i32_1 = arith.constant 0 : i32
    return %arg0, %c0_i32, %c0_i32_0 : i32, i32, i32
  }
  func.func @transform_6(%arg0: i32) -> (i32, i32) {
    %c0_i32 = arith.constant 0 : i32
    %c0_i32_0 = arith.constant 0 : i32
    return %arg0, %c0_i32 : i32, i32
  }
  func.func @transform_7(%arg0: i32) -> (i32, i32) {
    %c0_i32 = arith.constant 0 : i32
    %c0_i32_0 = arith.constant 0 : i32
    %c0_i32_1 = arith.constant 0 : i32
    return %c0_i32, %c0_i32_0 : i32, i32
  }
}

module attributes {stable_mosaic.version = 14 : i64} {
  func.func @body(%arg0: i32, %arg1: memref<2x1000x128xf32, #tpu.memory_space<vmem>>, %arg2: memref<1000x128xf32, #tpu.memory_space<vmem>>, %arg3: memref<1000x1xf32, #tpu.memory_space<vmem>>, %arg4: memref<1x128xf32, #tpu.memory_space<vmem>>, %arg5: memref<2x1000x64xf32, #tpu.memory_space<vmem>>) attributes {dimension_semantics = [#tpu.dimension_semantics<arbitrary>], iteration_bounds = array<i64: 10>, scalar_prefetch = 0 : i64, scratch_operands = 0 : i64, tpu.core_type = #tpu.core_type<tc>, window_params = [{transform_indices = @transform_0, window_bounds = array<i64: 2, 1000, 128>}, {transform_indices = @transform_1, window_bounds = array<i64: 1000, 128>}, {transform_indices = @transform_2, window_bounds = array<i64: 1000, 1>}, {pipeline_mode = #tpu.pipeline_mode<synchronous>, transform_indices = @transform_3, window_bounds = array<i64: 1, 128>}, {transform_indices = @transform_4, window_bounds = array<i64: 2, 1000, 64>}]} {
    %get3A = arith.constant 0 : index
    %get3A_0 = arith.constant 0 : index
    %get3A_1 = arith.constant 0 : index
    %get3A_2 = vector.load %arg1[%get3A, %get3A_0, %get3A_1] : memref<2x1000x128xf32, #tpu.memory_space<vmem>>, vector<1x1000x128xf32>
    %get3A_3 = vector.shape_cast %get3A_2 : vector<1x1000x128xf32> to vector<1000x128xf32>
    %get3A_4 = arith.constant 1 : index
    %get3A_5 = arith.constant 0 : index
    %get3A_6 = arith.constant 0 : index
    %get3A_7 = vector.load %arg1[%get3A_4, %get3A_5, %get3A_6] : memref<2x1000x128xf32, #tpu.memory_space<vmem>>, vector<1x1000x128xf32>
    %get3A_8 = vector.shape_cast %get3A_7 : vector<1x1000x128xf32> to vector<1000x128xf32>
    %add3A = arith.addf %get3A_3, %get3A_8 : vector<1000x128xf32>
    %get3A_9 = arith.constant 0 : index
    %get3A_10 = arith.constant 0 : index
    %get3A_11 = vector.load %arg2[%get3A_9, %get3A_10] : memref<1000x128xf32, #tpu.memory_space<vmem>>, vector<1000x128xf32>
    %add3A_12 = arith.addf %add3A, %get3A_11 : vector<1000x128xf32>
    %get3A_13 = arith.constant 0 : index
    %get3A_14 = arith.constant 0 : index
    %get3A_15 = vector.load %arg3[%get3A_13, %get3A_14] : memref<1000x1xf32, #tpu.memory_space<vmem>>, vector<1000x1xf32>
    %mul3A = vector.broadcast %get3A_15 : vector<1000x1xf32> to vector<1000x128xf32>
    %mul3A_16 = arith.mulf %add3A_12, %mul3A : vector<1000x128xf32>
    %get3A_17 = arith.constant 0 : index
    %get3A_18 = arith.constant 0 : index
    %get3A_19 = vector.load %arg4[%get3A_17, %get3A_18] : memref<1x128xf32, #tpu.memory_space<vmem>>, vector<1x128xf32>
    %add3A_20 = vector.broadcast %get3A_19 : vector<1x128xf32> to vector<1000x128xf32>
    %add3A_21 = arith.addf %mul3A_16, %add3A_20 : vector<1000x128xf32>
    %slice3A = vector.extract_strided_slice %add3A_21 {offsets = [0, 0], sizes = [1000, 64], strides = [1, 1]} : vector<1000x128xf32> to vector<1000x64xf32>
    %swap3A = arith.constant 0 : index
    %swap3A_22 = arith.constant 0 : index
    %swap3A_23 = arith.constant 0 : index
    %swap3A_24 = vector.load %arg5[%swap3A, %swap3A_22, %swap3A_23] : memref<2x1000x64xf32, #tpu.memory_space<vmem>>, vector<1x1000x64xf32>
    %swap3A_25 = vector.shape_cast %swap3A_24 : vector<1x1000x64xf32> to vector<1000x64xf32>
    %swap3A_26 = vector.shape_cast %slice3A : vector<1000x64xf32> to vector<1x1000x64xf32>
    tpu.vector_store %arg5[%swap3A, %swap3A_22, %swap3A_23], %swap3A_26 {strides = array<i32>} : memref<2x1000x64xf32, #tpu.memory_space<vmem>>, vector<1x1000x64xf32>,
    %slice3A_27 = vector.extract_strided_slice %add3A_21 {offsets = [0, 64], sizes = [1000, 64], strides = [1, 1]} : vector<1000x128xf32> to vector<1000x64xf32>
    %swap3A_28 = arith.constant 1 : index
    %swap3A_29 = arith.constant 0 : index
    %swap3A_30 = arith.constant 0 : index
    %swap3A_31 = vector.load %arg5[%swap3A_28, %swap3A_29, %swap3A_30] : memref<2x1000x64xf32, #tpu.memory_space<vmem>>, vector<1x1000x64xf32>
    %swap3A_32 = vector.shape_cast %swap3A_31 : vector<1x1000x64xf32> to vector<1000x64xf32>
    %swap3A_33 = vector.shape_cast %slice3A_27 : vector<1000x64xf32> to vector<1x1000x64xf32>
    tpu.vector_store %arg5[%swap3A_28, %swap3A_29, %swap3A_30], %swap3A_33 {strides = array<i32>} : memref<2x1000x64xf32, #tpu.memory_space<vmem>>, vector<1x1000x64xf32>,
    return
  }
  func.func @transform_0(%arg0: i32) -> (i32, i32, i32) {
    %c0_i32 = arith.constant 0 : i32
    %c0_i32_0 = arith.constant 0 : i32
    %c0_i32_1 = arith.constant 0 : i32
    return %c0_i32, %arg0, %c0_i32_0 : i32, i32, i32
  }
  func.func @transform_1(%arg0: i32) -> (i32, i32) {
    %c0_i32 = arith.constant 0 : i32
    %c0_i32_0 = arith.constant 0 : i32
    return %arg0, %c0_i32 : i32, i32
  }
  func.func @transform_2(%arg0: i32) -> (i32, i32) {
    %c0_i32 = arith.constant 0 : i32
    %c0_i32_0 = arith.constant 0 : i32
    return %arg0, %c0_i32 : i32, i32
  }
  func.func @transform_3(%arg0: i32) -> (i32, i32) {
    %c0_i32 = arith.constant 0 : i32
    %c0_i32_0 = arith.constant 0 : i32
    %c0_i32_1 = arith.constant 0 : i32
    return %c0_i32, %c0_i32_0 : i32, i32
  }
  func.func @transform_4(%arg0: i32) -> (i32, i32, i32) {
    %c0_i32 = arith.constant 0 : i32
    %c0_i32_0 = arith.constant 0 : i32
    %c0_i32_1 = arith.constant 0 : i32
    return %c0_i32, %arg0, %c0_i32_0 : i32, i32, i32
  }
}

</mosaic_0001>

<sc_bundles>
// kernel: kernel.12.cloned.1.call-start
scs
__scs_entry_jumppad:
0x0: {  	(pc) =	sbr.rel $0x88, $3  }
0x1: {  	(tag) =	ssettag $0x0;
	lr =	simm.s32 $0x1  }
0x2: {  	[smem:$0x3F97] =	sst lr;
	_ =	strace $0xD0000000  }
0x3: {  	_ = 	snop  }
0x4: {  	_ = 	snop  }
0x5: {  	_ = 	snop  }
0x6: {  	_ = 	snop  }
0x7: {  	_ = 	snop  }
__scs_overlays_trampoline_lowered:
0x8: {  	[smem:$0x3FA6] =	sst s0  }
0x9: {  	[smem:$0x3FA7] =	sst s1  }
0xa: {  	[smem:$0x3FA8] =	sst s2  }
0xb: {  	[smem:$0x3FA9] =	sst s3  }
0xc: {  	[smem:$0x3FAA] =	sst s4  }
0xd: {  	[smem:$0x3FAB] =	sst s5  }
0xe: {  	[smem:$0x3FAC] =	sst s6  }
0xf: {  	[smem:$0x3FAD] =	sst s7  }
0x10: {  	[smem:$0x3FAE] =	sst s8  }
0x11: {  	[smem:$0x3FAF] =	sst s9;
	s0 =	simm.s32 @!p0 $0x0  }
0x12: {  	s1 =	sld [smem:$0x3F95];
	s0 =	simm.s32 @p0 $0x1  }
0x13: {  	[smem:$0x3FB0] =	sst s0;
	s0 =	simm.s32 @!p1 $0x0  }
0x14: {  	s2 =	sld [smem:$0x3F94];
	s0 =	simm.s32 @p1 $0x1  }
0x15: {  	[smem:$0x3FB1] =	sst s0;
	s0 =	simm.s32 @!p2 $0x0  }
0x16: {  	s3 =	sld [smem:$0x3FDB];
	s0 =	simm.s32 @p2 $0x1  }
0x17: {  	s4 =	simm.s32 $0x1BF5;
	[smem:$0x3FB3] =	sst s0  }
0x18: {  	s0 =	sld [smem:$0x3F96];
	_ =	swait.ge [sflag:s4], $0x0  }
0x19: {  	s7 =	sld [smem:$0x3F97]  }
0x1a: {  	s8 =	sadd.s32 $0xFFFFE003, lr  }
0x1b: {  	s9 =	sadd.s32 $0xFFFFFEF7, lr;
	s5 =	simm.s32 $0xFFFFFFFF;
	p2 =	slt.u32 s8, $0xFFFFF086  }
0x1c: {  	p1 =	slt.u32 s9, $0xF7A;
	s5 =	simm.s32 @!p2 $0x0  }
0x1d: {  	s5 =	simm.s32 @p1 $0x1;
	p0 =	seq.s32 s7, s2  }
0x1e: {  	s7 =	smul.u32 @!p0 $0xF7A, s2;
	p2 =	seq.s32 @!p0 s5, $0x0  }
0x1f: {  	s9 =	smul.u32 $0xF7A, s1;
	s8 =	simm.s32 @!p0 $0x1BF5;
	p2 =	por !p2, p0  }
0x20: {  	[sflag:s8] =	ssyncset.s32 @!p0 $0xFFFFF086;
	s6 =	sadd.s32 @!p0 s3, s7;
	s7 =	simm.s32 @!p0 $0x108  }
0x21: {  	s3 =	sadd.s32 s3, s9;
	s6 =	sadd.s32 @!p0 $0x88, s6;
	s7 =	simm.s32 @p2 $0x1082  }
0x22: {  	[simem:s7], [sflag:s8] =	dma.local @!p0 [hbm:s6], $0xF7A  }
0x23: {  	s9 =	sor.u32 $0xD0000000, s2;
	s6 =	simm.s32 $0x108;
	_ =	swait.ge @!p0 [sflag:s8], $0x0  }
0x24: {  	s3 =	sadd.s32 $0x88, s3;
	s6 =	simm.s32 @!p1 $0x1082;
	[sflag:s4] =	ssyncset.s32 $0xFFFFF086  }
0x25: {  	[simem:s6], [sflag:s4] =	dma.local [hbm:s3], $0xF7A  }
0x26: {  	[smem:$0x3F97] =	sst s1;
	(tag) =	ssettag s2;
	_ =	strace s9  }
0x27: {  	s1 =	sld [smem:$0x3FA7]  }
0x28: {  	s2 =	sld [smem:$0x3FA8]  }
0x29: {  	s4 =	sld [smem:$0x3FAA]  }
0x2a: {  	p0 =	seq.s32 s5, $0x0;
	s5 =	sld [smem:$0x3FAB]  }
0x2b: {  	s6 =	sld [smem:$0x3FAC]  }
0x2c: {  	s7 =	sld [smem:$0x3FAD]  }
0x2d: {  	s3 =	simm.s32 $0x108;
	s8 =	sld [smem:$0x3FAE]  }
0x2e: {  	s3 =	simm.s32 @!p0 $0x1082;
	s9 =	sld [smem:$0x3FAF]  }
0x2f: {  	lr =	sadd.s32 s0, s3;
	s0 =	sld [smem:$0x3FA6]  }
0x30: {  	s3 =	sld [smem:$0x3FA9]  }
0x31: {  	[smem:$0x3FB2] =	sst s10  }
0x32: {  	s10 =	sld [smem:$0x3FB0];
	_ =	sdelay $0x3  }
0x33: {  	p0 =	seq.s32 s10, $0x1;
	s10 =	sld [smem:$0x3FB2];
	_ =	sdelay $0x3  }
0x34: {  	[smem:$0x3FB2] =	sst s10  }
0x35: {  	s10 =	sld [smem:$0x3FB1];
	_ =	sdelay $0x3  }
0x36: {  	p1 =	seq.s32 s10, $0x1;
	s10 =	sld [smem:$0x3FB2];
	_ =	sdelay $0x3  }
0x37: {  	[smem:$0x3FB2] =	sst s10  }
0x38: {  	s10 =	sld [smem:$0x3FB3]  }
0x39: {  	_ = 	snop;
	(pc) =	sbr.ind lr, $3  }
0x3a: {  	_ = 	snop  }
0x3b: {  	_ = 	snop  }
0x3c: {  	p2 =	seq.s32 s10, $0x1;
	s10 =	sld [smem:$0x3FB2]  }
0x3d: {  	_ =	shalt  }
0x3e: {  	_ =	shalt  }
0x3f: {  	_ =	shalt  }
0x40: {  	_ =	shalt  }
0x41: {  	_ =	shalt  }
0x42: {  	_ =	shalt  }
0x43: {  	_ =	shalt  }
0x44: {  	_ =	shalt  }
0x45: {  	_ =	shalt  }
0x46: {  	_ =	shalt  }
0x47: {  	_ =	shalt  }
0x48: {  	_ =	shalt  }
0x49: {  	_ =	shalt  }
0x4a: {  	_ =	shalt  }
0x4b: {  	_ =	shalt  }
0x4c: {  	_ =	shalt  }
0x4d: {  	_ =	shalt  }
0x4e: {  	_ =	shalt  }
0x4f: {  	_ =	shalt  }
0x50: {  	_ =	shalt  }
0x51: {  	_ =	shalt  }
0x52: {  	_ =	shalt  }
0x53: {  	_ =	shalt  }
0x54: {  	_ =	shalt  }
0x55: {  	_ =	shalt  }
0x56: {  	_ =	shalt  }
0x57: {  	_ =	shalt  }
0x58: {  	_ =	shalt  }
0x59: {  	_ =	shalt  }
0x5a: {  	_ =	shalt  }
0x5b: {  	_ =	shalt  }
0x5c: {  	_ =	shalt  }
0x5d: {  	_ =	shalt  }
0x5e: {  	_ =	shalt  }
0x5f: {  	_ =	shalt  }
0x60: {  	_ =	shalt  }
0x61: {  	_ =	shalt  }
0x62: {  	_ =	shalt  }
0x63: {  	_ =	shalt  }
0x64: {  	_ =	shalt  }
0x65: {  	_ =	shalt  }
0x66: {  	_ =	shalt  }
0x67: {  	_ =	shalt  }
0x68: {  	_ =	shalt  }
0x69: {  	_ =	shalt  }
0x6a: {  	_ =	shalt  }
0x6b: {  	_ =	shalt  }
0x6c: {  	_ =	shalt  }
0x6d: {  	_ =	shalt  }
0x6e: {  	_ =	shalt  }
0x6f: {  	_ =	shalt  }
0x70: {  	_ =	shalt  }
0x71: {  	_ =	shalt  }
0x72: {  	_ =	shalt  }
0x73: {  	_ =	shalt  }
0x74: {  	_ =	shalt  }
0x75: {  	_ =	shalt  }
0x76: {  	_ =	shalt  }
0x77: {  	_ =	shalt  }
0x78: {  	_ =	shalt  }
0x79: {  	_ =	shalt  }
0x7a: {  	_ =	shalt  }
0x7b: {  	_ =	shalt  }
0x7c: {  	_ =	shalt  }
0x7d: {  	_ =	shalt  }
0x7e: {  	_ =	shalt  }
0x7f: {  	_ =	shalt  }
0x80: {  	_ =	shalt  }
0x81: {  	_ =	shalt  }
0x82: {  	_ =	shalt  }
0x83: {  	_ =	shalt  }
0x84: {  	_ =	shalt  }
0x85: {  	_ =	shalt  }
0x86: {  	_ =	shalt  }
0x87: {  	_ =	shalt  }
.Lfunc_end0:
.L_simem_size_0:
called_computation.1_lowered:
.L_overlay_start_0:
0x88: {  	s2 =	sld [smem:$0x3FD9]  }
0x89: {  	s3 =	sld [smem:$0x3FFE];
	_ =	sdelay $0x1  }
0x8a: {  	s1 =	srdreg.scid  }
0x8b: {  	s0 =	sand.u32 $0x1, s1  }
0x8c: {  	s16 =	sshll.u32 s0, $0xA;
	s2 =	sadd.s32 s3, s2  }
0x8d: {  	s2 =	sadd.s32 s2, s16  }
0x8e: {  	[smem:$0x3FBE] =	sst s2  }
0x8f: {  	_ = 	snop  }
0x90: {  	(tm) =	ssettm $0x1  }
0x91: {  	s17 =	sld [smem:$0x3FFB];
	_ =	sdelay $0x3  }
0x92: {  	_ =	strace s17  }
0x93: {  	s2 =	sld [smem:$0x3FFC];
	_ =	sdelay $0x3  }
0x94: {  	_ =	strace s2  }
0x95: {  	s2 =	sld [smem:$0x3FFD];
	_ =	sdelay $0x3  }
0x96: {  	_ =	strace s2  }
0x97: {  	_ =	strace $0x8FFFFFFF  }
0x98: {  	s18 =	sld [smem:$0x3FDB];
	_ =	sdelay $0x1  }
0x99: {  	s19 =	simm.s32 $_scs_section_size  }
0x9a: {  	s4 =	simm.s32 $_size__tile_overlayer_lowered;
	s5 =	simm.s32 $_tile_overlayer_lowered  }
0x9b: {  	s22 =	simm.s32 $0x1BFF;
	s21 =	sshll.u32 s5, $0x1;
	s2 =	sadd.s32 s19, s18  }
0x9c: {  	s6 =	simm.s32 $0x0;
	s20 =	sshll.u32 s4, $0x1;
	s4 =	sadd.s32 s21, s2  }
0x9d: {  	[timem:s6], [sflag:s22] =	dma.local [hbm:s4], s20  }
0x9e: {  	_ =	swait.ge [sflag:s22], s20  }
0x9f: {  	s3 =	ssub.s32 $0x0, s20;
	[sflag:s22] =	ssyncset.done $0x0  }
0xa0: {  	[sflag:s22] =	ssyncadd.s32 s3;
	_ =	sdelay $0x1  }
0xa1: {  	s23 =	simm.s32 $0x1B8B  }
0xa2: {  	_ =	swait.ge [sflag:s23], $0x1  }
0xa3: {  	[sflag:s23] =	ssyncset.done $0x0  }
0xa4: {  	s25 =	simm.s32 $0x1B8E;
	s24 =	sld [smem:$0x3FFE];
	[sflag:s23] =	ssyncadd.s32 $0xFFFFFFFF  }
0xa5: {  	s26 =	simm.s32 $execute0_lowered;
	[smem:$0x3FD2] =	sst s25  }
0xa6: {  	s4 =	sshll.u32 s26, $0x1;
	_ =	strace $0x80000049;
	[dreg:$0x1] =	wrdreg $0xFFFFFFFF  }
0xa7: {  	s28 =	simm.s32 $_size_execute0_lowered;
	s2 =	sadd.s32 s2, s4;
	[dreg:$0x0] =	wrdreg $0x0  }
0xa8: {  	s4 =	sshll.u32 s28, $0x1;
	[dreg:$0x2] =	wrdreg s2  }
0xa9: {  	[dreg:$0x3] =	wrdreg s4  }
0xaa: {  	[dreg:$0x4] =	wrdreg $0xC0  }
0xab: {  	_ =	task [dreg:s6], $0x5FFFF  }
0xac: {  	[dreg:$0x1] =	wrdreg $0xFFFFFFFF  }
0xad: {  	[dreg:$0x0] =	wrdreg $0x60  }
0xae: {  	[dreg:$0x2] =	wrdreg s24  }
0xaf: {  	[dreg:$0x3] =	wrdreg $0x84000  }
0xb0: {  	[dreg:$0x4] =	wrdreg $0x9  }
0xb1: {  	_ =	task.clear_ibuf [dreg:s6], $0x5FFFF;
	_ =	strace $0x90000049  }
0xb2: {  	s29 =	simm.s32 $0x9;
	_ =	strace $0x8000004B  }
0xb3: {  	_ =	swait.ge [sflag:s29], $0x1  }
0xb4: {  	[sflag:s29] =	ssyncadd.s32 $0xFFFFFFFF  }
0xb5: {  	_ =	strace $0x9000004B  }
0xb6: {  	_ =	sfence  }
0xb7: {  	s30 =	sld [smem:$0x0];
	_ =	sdelay $0x2  }
0xb8: {  	s31 =	sshll.u32 s1, $0xD;
	s1 =	sshrl.u32 s1, $0x2  }
0xb9: {  	s3 =	sand.u32 $0x4000, s31;
	s1 =	sadd.s32 s1, s30  }
0xba: {  	s0 =	sor.u32 s3, s0;
	s1 =	sshll.u32 s1, $0x11  }
0xbb: {  	s0 =	sor.u32 s1, s0  }
0xbc: {  	s0 =	sadd.s32 $0x8F2B, s0  }
0xbd: {  	[sflag:s0] =	ssyncadd.remote.s32 $0x1  }
0xbe: {  	_ =	sfence.sel $0xFFFF  }
0xbf: {  	[dreg:$0x0] =	wrdreg $0xFFFFFFFF;
	(pc) =	sbr.abs _section_cstart, $3  }
0xc0: {  	[dreg:$0x1] =	wrdreg $0xFFFFFFFF  }
0xc1: {  	_ =	task.clear_ibuf [dreg:s6], $0x2FFFF;
	_ =	strace $0x9FFFFFFF  }
0xc2: {  	(tm) =	ssettm $0x7FFFFFFF  }
0xc3: {  	_ =	shalt  }
tec
execute0_lowered:
.L_overlay_start_1:
0x0: {  	(tag) =	ssettag $0x1  }
0x1: {  	s0 =	rddreg [dreg:$0x0]  }
0x2: {  	s1 =	rddreg [dreg:$0x1];
	s2 =	srdreg.scid  }
0x3: {  	s3 =	simm.s32 $0x0;
	s11 =	stileid.u32;
	s28 =	simm.s32 $0x1  }
0x4: {  	s29 =	simm.s32 $0x200;
	s30 =	simm.s32 $0x3;
	s31 =	simm.s32 $0x0  }
0x5: {  	s2 =	sand.u32 $0x1, s2;
	[smem:$0x7FF] =	sst s3;
	s7 =	smul.u32 $0x14000, s11  }
0x6: {  	s4 =	sadd.s32 $0x6800, s0;
	s8 =	smul.u32 $0x50000, s11;
	s5 =	sadd.s32 $0xA5200, s0  }
0x7: {  	s18 =	sshll.u32 s11, $0x6;
	s6 =	smul.u32 $0x140000, s2;
	s10 =	ssub.s32 $0x2, s2  }
0x8: {  	_ =	strace $0x8000004A;
	s12 =	smul.u32 $0x2800, s2;
	s16 =	sshrl.u32 s10, $0x1  }
0x9: {  	s8 =	sshrl.u32 s8, $0x2;
	s7 =	sadd.s32 s7, s6;
	s6 =	smul.u32 $0x5000, s11  }
0xa: {  	s13 =	ssub.s32 s10, s16;
	s20 =	sadd.s32 s8, s1;
	s8 =	sor.u32 $0x1C04, s18  }
0xb: {  	s24 =	sor.u32 $0x200, s12;
	s9 =	sshrl.u32 s7, $0x3;
	s7 =	sadd.s32 $0x4000, s0  }
0xc: {  	s20 =	sshrl.u32 s20, $0x3;
	s0 =	sadd.s32 s9, s0;
	s17 =	sadd.s32 s12, s6  }
0xd: {  	s9 =	smul.u32 $0x28, s2;
	s15 =	sadd.s32 $0x50000, s6;
	s12 =	sadd.s32 s6, s24  }
0xe: {  	s19 =	sor.u32 $0x100, s17;
	s21 =	sshrl.u32 s17, $0x3;
	s23 =	sadd.s32 $0xB9200, s0  }
0xf: {  	s0 =	sadd.s32 $0x109200, s0;
	s25 =	sshrl.u32 s12, $0x3;
	s17 =	smax.u32 s13, $0x1  }
0x10: {  	s14 =	sshrl.u32 s19, $0x3;
	s22 =	sadd.s32 s5, s21;
	[dreg:$0x5] =	wrdreg s23  }
0x11: {  	[dreg:$0x8] =	wrdreg s0;
	s18 =	sadd.s32 s5, s25;
	s21 =	simm.s32 $0x4  }
0x12: {  	s23 =	simm.s32 $0x100;
	[dreg:$0x3] =	wrdreg s22;
	s2 =	sadd.s32 $0xA000, s22  }
0x13: {  	s25 =	simm.s32 $0x400;
	s10 =	sadd.s32 s5, s14;
	[dreg:$0x6] =	wrdreg s2  }
0x14: {  	s22 =	simm.s32 $0x2;
	[dreg:$0x4] =	wrdreg s10;
	s2 =	sadd.s32 s24, s15  }
0x15: {  	s10 =	sadd.s32 $0xA000, s10;
	s24 =	simm.s32 $0x80;
	s26 =	sshrl.u32 s2, $0x3  }
0x16: {  	[dreg:$0x7] =	wrdreg s10;
	s19 =	sadd.s32 s5, s26;
	s26 =	simm.s32 $0x4400  }
.LBB2_1:
0x17: {  	[spmem:s20], [sflag:s8] =	dma.local [hbm:s7], $0x2800  }
0x18: {  	_ =	swait.ge [sflag:s21], $0x2800  }
0x19: {  	[sflag:s21] =	ssyncset.done $0x0  }
0x1a: {  	s0 =	rddreg [dreg:$0x3];
	[sflag:s21] =	ssyncadd.s32 $0xFFFFD800  }
0x1b: {  	[tilespmem:s3], [sflag:$0x2] =	stream.linear.gather [hbm4b:s0+s3], $0x100, $0x38;
	[tilespmem:$0x1C400] =	vst v63  }
0x1c: {  	_ =	swait.ge [sflag:s22], $0x100  }
0x1d: {  	[sflag:s22] =	ssyncset.done $0x0  }
0x1e: {  	s2 =	rddreg [dreg:$0x4];
	[sflag:s22] =	ssyncadd.s32 $0xFFFFFF00  }
0x1f: {  	[tilespmem:s23], [sflag:$0x2] =	stream.linear.gather [hbm4b:s2+s3], $0x100, $0x38;
	[tilespmem:$0x1C400] =	vst v63  }
0x20: {  	[bflag:$0x0] =	sbarrier.arrive $0xFFFF  }
0x21: {  	[tilespmem:s25], [sflag:$0x1] =	stream.indirect.gather [hbm4b:s4+s24], $0x80, s3, s24, $0xb8;
	[tilespmem:$0x1C400] =	vst v63  }
0x22: {  	_ =	swait.ge [sflag:s22], $0x100  }
0x23: {  	[sflag:s22] =	ssyncset.done $0x0  }
0x24: {  	[sflag:s22] =	ssyncadd.s32 $0xFFFFFF00  }
0x25: {  	[tilespmem:s26], [sflag:$0x1] =	stream.indirect.gather [hbm4b:s4+s24], $0x80, s23, s24, $0xb8;
	[tilespmem:$0x1C400] =	vst v63  }
0x26: {  	_ =	swait.ge [sflag:s28], $0x4000  }
0x27: {  	[sflag:s28] =	ssyncset.done $0x0  }
0x28: {  	[sflag:s28] =	ssyncadd.s32 $0xFFFFC000  }
0x29: {  	[spmem:s1] =	stream.indirect.scatter.add.f32 [tilespmem:s25], [sflag:$0x3], $0x80, s24, s24, $0xb8;
	[tilespmem:$0x1C400] =	vst v63  }
0x2a: {  	_ = 	snop  }
0x2b: {  	[tilespmem:s29], [sflag:$0x2] =	stream.linear.gather [hbm4b:s18+s3], $0x100, $0x38;
	[tilespmem:$0x1C400] =	vst v63  }
0x2c: {  	_ =	swait.ge [sflag:s22], $0x100  }
0x2d: {  	s10 =	simm.s32 $0x1;
	[sflag:s22] =	ssyncset.done $0x0  }
0x2e: {  	s14 =	simm.s32 $0x400;
	s0 =	sand.u32 $0x1, s10;
	[sflag:s22] =	ssyncadd.s32 $0xFFFFFF00  }
0x2f: {  	s12 =	sshll.u32 s0, $0xE;
	s2 =	simm.s32 $0x800;
	_ =	swait.ge [sflag:s30], $0x4000  }
0x30: {  	s13 =	sxor.u32 $0x4400, s12;
	s11 =	sand.u32 $0xC00, s2;
	[sflag:s30] =	ssyncset.done $0x0  }
0x31: {  	s2 =	sand.u32 $0xC00, s14;
	s0 =	sshrl.u32 s11, $0x2;
	[sflag:s30] =	ssyncadd.s32 $0xFFFFC000  }
0x32: {  	[tilespmem:s13], [sflag:$0x1] =	stream.indirect.gather [hbm4b:s4+s24], $0x80, s0, s24, $0xb8;
	[tilespmem:$0x1C400] =	vst v63  }
0x33: {  	s12 =	sor.u32 $0x400, s12;
	s2 =	sshrl.u32 s2, $0x2;
	s13 =	smin.u32 s30, $0x27  }
0x34: {  	s2 =	sor.u32 $0x80, s2;
	s13 =	sadd.s32 s9, s13;
	_ =	swait.ge [sflag:s28], $0x4000  }
0x35: {  	s0 =	simm.s32 $0xC00;
	[sflag:s28] =	ssyncset.done $0x0;
	s13 =	sshll.u32 s13, $0x8  }
0x36: {  	s16 =	sand.u32 $0xC00, s0;
	[sflag:s28] =	ssyncadd.s32 $0xFFFFC000;
	s13 =	sadd.s32 s6, s13  }
0x37: {  	[spmem:s1] =	stream.indirect.scatter.add.f32 [tilespmem:s12], [sflag:$0x3], $0x80, s2, s24, $0xb8;
	[tilespmem:$0x1C400] =	vst v63  }
0x38: {  	s2 =	simm.s32 $0x4;
	s12 =	sshrl.u32 s16, $0x2;
	s13 =	sshrl.u32 s13, $0x3  }
.LBB2_2:
0x39: {  	p0 =	sne.s32 s2, $0x29;
	s13 =	sadd.s32 s5, s13;
	s0 =	sadd.s32 $0x400, s0  }
0x3a: {  	[tilespmem:s12], [sflag:$0x2] =	stream.linear.gather [hbm4b:s13+s3], $0x100, $0x38;
	[tilespmem:$0x1C400] =	vst v63  }
0x3b: {  	s12 =	smov.u32 s2;
	s2 =	sadd.s32 $0x1, s2  }
0x3c: {  	s13 =	sand.u32 $0xC00, s0;
	_ =	swait.ge [sflag:s22], $0x100  }
0x3d: {  	s14 =	sadd.s32 $0xFFFFF800, s0;
	s16 =	smin.u32 s12, $0x27;
	[sflag:s22] =	ssyncset.done $0x0  }
0x3e: {  	s12 =	sadd.s32 $0xFFFFFFFE, s12;
	s16 =	sadd.s32 s9, s16;
	[sflag:s22] =	ssyncadd.s32 $0xFFFFFF00  }
0x3f: {  	s10 =	sadd.s32 $0xFFFFFC00, s0;
	s12 =	sand.u32 $0x1, s12;
	_ =	swait.ge [sflag:s30], $0x4000  }
0x40: {  	s10 =	sand.u32 $0xC00, s10;
	s12 =	sshll.u32 s12, $0xE;
	[sflag:s30] =	ssyncset.done $0x0  }
0x41: {  	s10 =	sshrl.u32 s10, $0x2;
	s11 =	sxor.u32 $0x4400, s12;
	[sflag:s30] =	ssyncadd.s32 $0xFFFFC000  }
0x42: {  	[tilespmem:s11], [sflag:$0x1] =	stream.indirect.gather [hbm4b:s4+s24], $0x80, s10, s24, $0xb8;
	[tilespmem:$0x1C400] =	vst v63  }
0x43: {  	s10 =	sor.u32 $0x400, s12  }
.Ltmp0:
0x44: {  	s11 =	sand.u32 $0xC00, s14;
	_ =	swait.ge [sflag:s28], $0x4000;
	(pc) =	sbr.rel @p0 .LBB2_2-.Ltmp0, $4  }
0x45: {  	s12 =	sshll.u32 s16, $0x8;
	s11 =	sshrl.u32 s11, $0x2;
	[sflag:s28] =	ssyncset.done $0x0  }
0x46: {  	s14 =	sadd.s32 s6, s12;
	s11 =	sor.u32 $0x80, s11;
	[sflag:s28] =	ssyncadd.s32 $0xFFFFC000  }
0x47: {  	[spmem:s1] =	stream.indirect.scatter.add.f32 [tilespmem:s10], [sflag:$0x3], $0x80, s11, s24, $0xb8;
	[tilespmem:$0x1C400] =	vst v63  }
0x48: {  	s12 =	sshrl.u32 s13, $0x2;
	s13 =	sshrl.u32 s14, $0x3  }
0x49: {  	s0 =	sadd.s32 s5, s13  }
0x4a: {  	[tilespmem:s12], [sflag:$0x2] =	stream.linear.gather [hbm4b:s0+s3], $0x100, $0x38;
	[tilespmem:$0x1C400] =	vst v63  }
0x4b: {  	_ =	swait.ge [sflag:s22], $0x100  }
0x4c: {  	[sflag:s22] =	ssyncset.done $0x0  }
0x4d: {  	[sflag:s22] =	ssyncadd.s32 $0xFFFFFF00  }
0x4e: {  	_ =	swait.ge [sflag:s28], $0x4000  }
0x4f: {  	[sflag:s28] =	ssyncset.done $0x0  }
0x50: {  	s2 =	simm.s32 $0x3;
	[sflag:s28] =	ssyncadd.s32 $0xFFFFC000  }
0x51: {  	_ =	swait.ge [sflag:s2], $0x4000  }
0x52: {  	[sflag:s2] =	ssyncset.done $0x0  }
0x53: {  	[sflag:s2] =	ssyncadd.s32 $0xFFFFC000  }
0x54: {  	[bflag:$0x0] =	sbarrier.arrive $0xFFFF  }
0x55: {  	s12 =	rddreg [dreg:$0x5]  }
0x56: {  	[hbm:s12], [sflag:s8] =	dma.local [spmem:s20], $0x2800  }
0x57: {  	_ =	swait.ge [sflag:s21], $0x2800  }
0x58: {  	[sflag:s21] =	ssyncset.done $0x0  }
0x59: {  	[sflag:s21] =	ssyncadd.s32 $0xFFFFD800  }
0x5a: {  	[bflag:$0x0] =	sbarrier.arrive $0xFFFF  }
0x5b: {  	[spmem:s20], [sflag:s8] =	dma.local [hbm:s7], $0x2800  }
0x5c: {  	_ =	swait.ge [sflag:s21], $0x2800  }
0x5d: {  	[sflag:s21] =	ssyncset.done $0x0  }
0x5e: {  	s13 =	rddreg [dreg:$0x6];
	[sflag:s21] =	ssyncadd.s32 $0xFFFFD800  }
0x5f: {  	[tilespmem:s3], [sflag:$0x2] =	stream.linear.gather [hbm4b:s13+s3], $0x100, $0x38;
	[tilespmem:$0x1C400] =	vst v63  }
0x60: {  	_ =	swait.ge [sflag:s22], $0x100  }
0x61: {  	[sflag:s22] =	ssyncset.done $0x0  }
0x62: {  	s14 =	rddreg [dreg:$0x7];
	[sflag:s22] =	ssyncadd.s32 $0xFFFFFF00  }
0x63: {  	[tilespmem:s23], [sflag:$0x2] =	stream.linear.gather [hbm4b:s14+s3], $0x100, $0x38;
	[tilespmem:$0x1C400] =	vst v63  }
0x64: {  	[bflag:$0x0] =	sbarrier.arrive $0xFFFF  }
0x65: {  	[tilespmem:s25], [sflag:$0x1] =	stream.indirect.gather [hbm4b:s4+s24], $0x80, s3, s24, $0xb8;
	[tilespmem:$0x1C400] =	vst v63  }
0x66: {  	_ =	swait.ge [sflag:s22], $0x100  }
0x67: {  	[sflag:s22] =	ssyncset.done $0x0  }
0x68: {  	[sflag:s22] =	ssyncadd.s32 $0xFFFFFF00  }
0x69: {  	[tilespmem:s26], [sflag:$0x1] =	stream.indirect.gather [hbm4b:s4+s24], $0x80, s23, s24, $0xb8;
	[tilespmem:$0x1C400] =	vst v63  }
0x6a: {  	_ =	swait.ge [sflag:s28], $0x4000  }
0x6b: {  	[sflag:s28] =	ssyncset.done $0x0  }
0x6c: {  	s16 =	simm.s32 $0x1;
	[sflag:s28] =	ssyncadd.s32 $0xFFFFC000  }
0x6d: {  	[spmem:s1] =	stream.indirect.scatter.add.f32 [tilespmem:s25], [sflag:$0x3], $0x80, s24, s24, $0xb8;
	[tilespmem:$0x1C400] =	vst v63  }
0x6e: {  	s10 =	simm.s32 $0x800;
	s0 =	sand.u32 $0x1, s16  }
0x6f: {  	[tilespmem:s29], [sflag:$0x2] =	stream.linear.gather [hbm4b:s19+s3], $0x100, $0x38;
	[tilespmem:$0x1C400] =	vst v63  }
0x70: {  	s10 =	sand.u32 $0xC00, s10;
	s2 =	smin.u32 s2, $0x27;
	_ =	swait.ge [sflag:s22], $0x100  }
0x71: {  	s11 =	sshll.u32 s0, $0xE;
	s2 =	sadd.s32 s9, s2;
	[sflag:s22] =	ssyncset.done $0x0  }
0x72: {  	s0 =	sshrl.u32 s10, $0x2;
	s2 =	sshll.u32 s2, $0x8;
	[sflag:s22] =	ssyncadd.s32 $0xFFFFFF00  }
0x73: {  	s12 =	sxor.u32 $0x4400, s11;
	s11 =	sor.u32 $0x400, s11;
	_ =	swait.ge [sflag:s30], $0x4000  }
0x74: {  	s16 =	sadd.s32 s2, s15;
	s13 =	simm.s32 $0x400;
	[sflag:s30] =	ssyncset.done $0x0  }
0x75: {  	s2 =	simm.s32 $0x4;
	s10 =	sand.u32 $0xC00, s13;
	[sflag:s30] =	ssyncadd.s32 $0xFFFFC000  }
0x76: {  	[tilespmem:s12], [sflag:$0x1] =	stream.indirect.gather [hbm4b:s4+s24], $0x80, s0, s24, $0xb8;
	[tilespmem:$0x1C400] =	vst v63  }
0x77: {  	s13 =	sshrl.u32 s16, $0x3;
	s0 =	simm.s32 $0xC00;
	_ =	swait.ge [sflag:s28], $0x4000  }
0x78: {  	s10 =	sshrl.u32 s10, $0x2;
	s14 =	sand.u32 $0xC00, s0;
	[sflag:s28] =	ssyncset.done $0x0  }
0x79: {  	s10 =	sor.u32 $0x80, s10;
	s12 =	sshrl.u32 s14, $0x2;
	[sflag:s28] =	ssyncadd.s32 $0xFFFFC000  }
0x7a: {  	[spmem:s1] =	stream.indirect.scatter.add.f32 [tilespmem:s11], [sflag:$0x3], $0x80, s10, s24, $0xb8;
	[tilespmem:$0x1C400] =	vst v63  }
.LBB2_4:
0x7b: {  	p0 =	sne.s32 s2, $0x29;
	s10 =	sadd.s32 s5, s13;
	s0 =	sadd.s32 $0x400, s0  }
0x7c: {  	[tilespmem:s12], [sflag:$0x2] =	stream.linear.gather [hbm4b:s10+s3], $0x100, $0x38;
	[tilespmem:$0x1C400] =	vst v63  }
0x7d: {  	s10 =	smov.u32 s2;
	s2 =	sadd.s32 $0x1, s2  }
0x7e: {  	s11 =	sand.u32 $0xC00, s0;
	s12 =	sadd.s32 $0xFFFFF800, s0;
	_ =	swait.ge [sflag:s22], $0x100  }
0x7f: {  	s14 =	sadd.s32 $0xFFFFFC00, s0;
	s13 =	smin.u32 s10, $0x27;
	[sflag:s22] =	ssyncset.done $0x0  }
0x80: {  	s10 =	sadd.s32 $0xFFFFFFFE, s10;
	s13 =	sadd.s32 s9, s13;
	[sflag:s22] =	ssyncadd.s32 $0xFFFFFF00  }
0x81: {  	s14 =	sand.u32 $0xC00, s14;
	s10 =	sand.u32 $0x1, s10;
	_ =	swait.ge [sflag:s30], $0x4000  }
0x82: {  	s12 =	sand.u32 $0xC00, s12;
	s10 =	sshll.u32 s10, $0xE;
	[sflag:s30] =	ssyncset.done $0x0  }
0x83: {  	s14 =	sshrl.u32 s14, $0x2;
	s16 =	sxor.u32 $0x4400, s10;
	[sflag:s30] =	ssyncadd.s32 $0xFFFFC000  }
0x84: {  	[tilespmem:s16], [sflag:$0x1] =	stream.indirect.gather [hbm4b:s4+s24], $0x80, s14, s24, $0xb8;
	[tilespmem:$0x1C400] =	vst v63  }
.Ltmp1:
0x85: {  	s10 =	sor.u32 $0x400, s10;
	_ =	swait.ge [sflag:s28], $0x4000;
	(pc) =	sbr.rel @p0 .LBB2_4-.Ltmp1, $4  }
0x86: {  	s12 =	sshrl.u32 s12, $0x2;
	s13 =	sshll.u32 s13, $0x8;
	[sflag:s28] =	ssyncset.done $0x0  }
0x87: {  	s12 =	sor.u32 $0x80, s12;
	s13 =	sadd.s32 s13, s15;
	[sflag:s28] =	ssyncadd.s32 $0xFFFFC000  }
0x88: {  	[spmem:s1] =	stream.indirect.scatter.add.f32 [tilespmem:s10], [sflag:$0x3], $0x80, s12, s24, $0xb8;
	[tilespmem:$0x1C400] =	vst v63  }
0x89: {  	s13 =	sshrl.u32 s13, $0x3;
	s12 =	sshrl.u32 s11, $0x2  }
0x8a: {  	s0 =	sadd.s32 s5, s13  }
0x8b: {  	[tilespmem:s12], [sflag:$0x2] =	stream.linear.gather [hbm4b:s0+s3], $0x100, $0x38;
	[tilespmem:$0x1C400] =	vst v63  }
0x8c: {  	_ =	swait.ge [sflag:s22], $0x100  }
0x8d: {  	[sflag:s22] =	ssyncset.done $0x0  }
0x8e: {  	[sflag:s22] =	ssyncadd.s32 $0xFFFFFF00  }
0x8f: {  	_ =	swait.ge [sflag:s28], $0x4000  }
0x90: {  	[sflag:s28] =	ssyncset.done $0x0  }
0x91: {  	[sflag:s28] =	ssyncadd.s32 $0xFFFFC000  }
0x92: {  	_ =	swait.ge [sflag:s30], $0x4000  }
0x93: {  	[sflag:s30] =	ssyncset.done $0x0  }
0x94: {  	s31 =	sadd.s32 $0x1, s31;
	[sflag:s30] =	ssyncadd.s32 $0xFFFFC000  }
0x95: {  	p0 =	sne.s32 s31, s17;
	[bflag:$0x0] =	sbarrier.arrive $0xFFFF  }
.Ltmp2:
0x96: {  	s16 =	rddreg [dreg:$0x8];
	(pc) =	sbr.rel @p0 .LBB2_1-.Ltmp2, $4  }
0x97: {  	[hbm:s16], [sflag:s8] =	dma.local [spmem:s20], $0x2800  }
0x98: {  	_ =	swait.ge [sflag:s21], $0x2800  }
0x99: {  	[sflag:s21] =	ssyncset.done $0x0  }
0x9a: {  	[sflag:s21] =	ssyncadd.s32 $0xFFFFD800  }
0x9b: {  	_ =	sfence.sel $0x180000  }
0x9c: {  	[bflag:$0x0] =	sbarrier.arrive $0xFFFF  }
0x9d: {  	_ =	strace $0x9000004A  }
0x9e: {  	s0 =	stileid.u32;
	[bflag:$0x2] =	sbarrier.arrive $0xFFFF  }
0x9f: {  	p0 =	sne.s32 s0, $0x0;
	s0 =	rddreg [dreg:$0x2]  }
0xa0: {  	s0 =	sadd.s32 @!p0 $0x100000, s0  }
0xa1: {  	[sflag:s0] =	ssyncadd.tile.s32 @!p0 $0x1;
	_ =	shalt  }
.Lfunc_end2:
_tile_overlayer_lowered:
.L_overlay_start_2:
0xa2: {  	(tag) =	ssettag $0x2  }
0xa3: {  	s0 =	rddreg [dreg:$0x0];
	s2 =	stileid.u32  }
0xa4: {  	s1 =	rddreg [dreg:$0x1];
	p0 =	sne.s32 s2, $0x0  }
0xa5: {  	s3 =	rddreg [dreg:$0x2];
	[bflag:$0x3] =	sbarrier.arrive $0xFFFF;
	s2 =	simm.s32 @!p0 $0x1C04  }
0xa6: {  	[timem:s3], [sflag:s2] =	dma.local @!p0 [hbm:s0], s1  }
0xa7: {  	s0 =	simm.s32 @!p0 $0x4  }
0xa8: {  	_ =	swait.ge @!p0 [sflag:s0], s1  }
0xa9: {  	s1 =	ssub.s32 @!p0 $0x0, s1;
	[sflag:s0] =	ssyncset.done @!p0 $0x0  }
0xaa: {  	[sflag:s0] =	ssyncadd.s32 @!p0 s1  }
0xab: {  	[bflag:$0x3] =	sbarrier.arrive $0xFFFF  }
0xac: {  	_ =	shalt  }

// kernel: kernel.15.cloned.1.call-start
scs
__scs_entry_jumppad:
0x0: {  	(pc) =	sbr.rel $0x88, $3  }
0x1: {  	(tag) =	ssettag $0x0;
	lr =	simm.s32 $0x1  }
0x2: {  	[smem:$0x3F97] =	sst lr;
	_ =	strace $0xD0000000  }
0x3: {  	_ = 	snop  }
0x4: {  	_ = 	snop  }
0x5: {  	_ = 	snop  }
0x6: {  	_ = 	snop  }
0x7: {  	_ = 	snop  }
__scs_overlays_trampoline_lowered:
0x8: {  	[smem:$0x3FA6] =	sst s0  }
0x9: {  	[smem:$0x3FA7] =	sst s1  }
0xa: {  	[smem:$0x3FA8] =	sst s2  }
0xb: {  	[smem:$0x3FA9] =	sst s3  }
0xc: {  	[smem:$0x3FAA] =	sst s4  }
0xd: {  	[smem:$0x3FAB] =	sst s5  }
0xe: {  	[smem:$0x3FAC] =	sst s6  }
0xf: {  	[smem:$0x3FAD] =	sst s7  }
0x10: {  	[smem:$0x3FAE] =	sst s8  }
0x11: {  	[smem:$0x3FAF] =	sst s9;
	s0 =	simm.s32 @!p0 $0x0  }
0x12: {  	s1 =	sld [smem:$0x3F95];
	s0 =	simm.s32 @p0 $0x1  }
0x13: {  	[smem:$0x3FB0] =	sst s0;
	s0 =	simm.s32 @!p1 $0x0  }
0x14: {  	s2 =	sld [smem:$0x3F94];
	s0 =	simm.s32 @p1 $0x1  }
0x15: {  	[smem:$0x3FB1] =	sst s0;
	s0 =	simm.s32 @!p2 $0x0  }
0x16: {  	s3 =	sld [smem:$0x3FDB];
	s0 =	simm.s32 @p2 $0x1  }
0x17: {  	s4 =	simm.s32 $0x1BF5;
	[smem:$0x3FB3] =	sst s0  }
0x18: {  	s0 =	sld [smem:$0x3F96];
	_ =	swait.ge [sflag:s4], $0x0  }
0x19: {  	s7 =	sld [smem:$0x3F97]  }
0x1a: {  	s8 =	sadd.s32 $0xFFFFE003, lr  }
0x1b: {  	s9 =	sadd.s32 $0xFFFFFEF7, lr;
	s5 =	simm.s32 $0xFFFFFFFF;
	p2 =	slt.u32 s8, $0xFFFFF086  }
0x1c: {  	p1 =	slt.u32 s9, $0xF7A;
	s5 =	simm.s32 @!p2 $0x0  }
0x1d: {  	s5 =	simm.s32 @p1 $0x1;
	p0 =	seq.s32 s7, s2  }
0x1e: {  	s7 =	smul.u32 @!p0 $0xF7A, s2;
	p2 =	seq.s32 @!p0 s5, $0x0  }
0x1f: {  	s9 =	smul.u32 $0xF7A, s1;
	s8 =	simm.s32 @!p0 $0x1BF5;
	p2 =	por !p2, p0  }
0x20: {  	[sflag:s8] =	ssyncset.s32 @!p0 $0xFFFFF086;
	s6 =	sadd.s32 @!p0 s3, s7;
	s7 =	simm.s32 @!p0 $0x108  }
0x21: {  	s3 =	sadd.s32 s3, s9;
	s6 =	sadd.s32 @!p0 $0x88, s6;
	s7 =	simm.s32 @p2 $0x1082  }
0x22: {  	[simem:s7], [sflag:s8] =	dma.local @!p0 [hbm:s6], $0xF7A  }
0x23: {  	s9 =	sor.u32 $0xD0000000, s2;
	s6 =	simm.s32 $0x108;
	_ =	swait.ge @!p0 [sflag:s8], $0x0  }
0x24: {  	s3 =	sadd.s32 $0x88, s3;
	s6 =	simm.s32 @!p1 $0x1082;
	[sflag:s4] =	ssyncset.s32 $0xFFFFF086  }
0x25: {  	[simem:s6], [sflag:s4] =	dma.local [hbm:s3], $0xF7A  }
0x26: {  	[smem:$0x3F97] =	sst s1;
	(tag) =	ssettag s2;
	_ =	strace s9  }
0x27: {  	s1 =	sld [smem:$0x3FA7]  }
0x28: {  	s2 =	sld [smem:$0x3FA8]  }
0x29: {  	s4 =	sld [smem:$0x3FAA]  }
0x2a: {  	p0 =	seq.s32 s5, $0x0;
	s5 =	sld [smem:$0x3FAB]  }
0x2b: {  	s6 =	sld [smem:$0x3FAC]  }
0x2c: {  	s7 =	sld [smem:$0x3FAD]  }
0x2d: {  	s3 =	simm.s32 $0x108;
	s8 =	sld [smem:$0x3FAE]  }
0x2e: {  	s3 =	simm.s32 @!p0 $0x1082;
	s9 =	sld [smem:$0x3FAF]  }
0x2f: {  	lr =	sadd.s32 s0, s3;
	s0 =	sld [smem:$0x3FA6]  }
0x30: {  	s3 =	sld [smem:$0x3FA9]  }
0x31: {  	[smem:$0x3FB2] =	sst s10  }
0x32: {  	s10 =	sld [smem:$0x3FB0];
	_ =	sdelay $0x3  }
0x33: {  	p0 =	seq.s32 s10, $0x1;
	s10 =	sld [smem:$0x3FB2];
	_ =	sdelay $0x3  }
0x34: {  	[smem:$0x3FB2] =	sst s10  }
0x35: {  	s10 =	sld [smem:$0x3FB1];
	_ =	sdelay $0x3  }
0x36: {  	p1 =	seq.s32 s10, $0x1;
	s10 =	sld [smem:$0x3FB2];
	_ =	sdelay $0x3  }
0x37: {  	[smem:$0x3FB2] =	sst s10  }
0x38: {  	s10 =	sld [smem:$0x3FB3]  }
0x39: {  	_ = 	snop;
	(pc) =	sbr.ind lr, $3  }
0x3a: {  	_ = 	snop  }
0x3b: {  	_ = 	snop  }
0x3c: {  	p2 =	seq.s32 s10, $0x1;
	s10 =	sld [smem:$0x3FB2]  }
0x3d: {  	_ =	shalt  }
0x3e: {  	_ =	shalt  }
0x3f: {  	_ =	shalt  }
0x40: {  	_ =	shalt  }
0x41: {  	_ =	shalt  }
0x42: {  	_ =	shalt  }
0x43: {  	_ =	shalt  }
0x44: {  	_ =	shalt  }
0x45: {  	_ =	shalt  }
0x46: {  	_ =	shalt  }
0x47: {  	_ =	shalt  }
0x48: {  	_ =	shalt  }
0x49: {  	_ =	shalt  }
0x4a: {  	_ =	shalt  }
0x4b: {  	_ =	shalt  }
0x4c: {  	_ =	shalt  }
0x4d: {  	_ =	shalt  }
0x4e: {  	_ =	shalt  }
0x4f: {  	_ =	shalt  }
0x50: {  	_ =	shalt  }
0x51: {  	_ =	shalt  }
0x52: {  	_ =	shalt  }
0x53: {  	_ =	shalt  }
0x54: {  	_ =	shalt  }
0x55: {  	_ =	shalt  }
0x56: {  	_ =	shalt  }
0x57: {  	_ =	shalt  }
0x58: {  	_ =	shalt  }
0x59: {  	_ =	shalt  }
0x5a: {  	_ =	shalt  }
0x5b: {  	_ =	shalt  }
0x5c: {  	_ =	shalt  }
0x5d: {  	_ =	shalt  }
0x5e: {  	_ =	shalt  }
0x5f: {  	_ =	shalt  }
0x60: {  	_ =	shalt  }
0x61: {  	_ =	shalt  }
0x62: {  	_ =	shalt  }
0x63: {  	_ =	shalt  }
0x64: {  	_ =	shalt  }
0x65: {  	_ =	shalt  }
0x66: {  	_ =	shalt  }
0x67: {  	_ =	shalt  }
0x68: {  	_ =	shalt  }
0x69: {  	_ =	shalt  }
0x6a: {  	_ =	shalt  }
0x6b: {  	_ =	shalt  }
0x6c: {  	_ =	shalt  }
0x6d: {  	_ =	shalt  }
0x6e: {  	_ =	shalt  }
0x6f: {  	_ =	shalt  }
0x70: {  	_ =	shalt  }
0x71: {  	_ =	shalt  }
0x72: {  	_ =	shalt  }
0x73: {  	_ =	shalt  }
0x74: {  	_ =	shalt  }
0x75: {  	_ =	shalt  }
0x76: {  	_ =	shalt  }
0x77: {  	_ =	shalt  }
0x78: {  	_ =	shalt  }
0x79: {  	_ =	shalt  }
0x7a: {  	_ =	shalt  }
0x7b: {  	_ =	shalt  }
0x7c: {  	_ =	shalt  }
0x7d: {  	_ =	shalt  }
0x7e: {  	_ =	shalt  }
0x7f: {  	_ =	shalt  }
0x80: {  	_ =	shalt  }
0x81: {  	_ =	shalt  }
0x82: {  	_ =	shalt  }
0x83: {  	_ =	shalt  }
0x84: {  	_ =	shalt  }
0x85: {  	_ =	shalt  }
0x86: {  	_ =	shalt  }
0x87: {  	_ =	shalt  }
.Lfunc_end0:
.L_simem_size_0:
called_computation.2_lowered:
.L_overlay_start_0:
0x88: {  	s2 =	sld [smem:$0x3FD9]  }
0x89: {  	s3 =	sld [smem:$0x3FFE];
	_ =	sdelay $0x1  }
0x8a: {  	s1 =	srdreg.scid  }
0x8b: {  	s0 =	sand.u32 $0x1, s1  }
0x8c: {  	s14 =	sshll.u32 s0, $0xA;
	s2 =	sadd.s32 s3, s2  }
0x8d: {  	s2 =	sadd.s32 s2, s14  }
0x8e: {  	[smem:$0x3FBE] =	sst s2  }
0x8f: {  	_ = 	snop  }
0x90: {  	s2 =	sld [smem:$0x3FD0];
	_ =	sdelay $0x2  }
0x91: {  	s15 =	simm.s32 $0xA;
	s4 =	simm.s32 $0x10  }
0x92: {  	[smem:s4], [sflag:s15] =	dma.local [hbm:s2], $0x1  }
0x93: {  	_ =	swait.eq [sflag:s15], $0x1  }
0x94: {  	[sflag:s15] =	ssyncset.done $0x0  }
0x95: {  	[sflag:s15] =	ssyncadd.s32 $0xFFFFFFFF  }
0x96: {  	s16 =	sld [smem:$0x11];
	(tm) =	ssettm $0x1  }
0x97: {  	s17 =	sld [smem:$0x3FFB];
	_ =	sdelay $0x3  }
0x98: {  	_ =	strace s17  }
0x99: {  	s3 =	sld [smem:$0x3FFC];
	_ =	sdelay $0x3  }
0x9a: {  	_ =	strace s3  }
0x9b: {  	s3 =	sld [smem:$0x3FFD];
	_ =	sdelay $0x3  }
0x9c: {  	_ =	strace s3  }
0x9d: {  	_ =	strace $0x8FFFFFFF  }
0x9e: {  	s18 =	sld [smem:$0x3FDB];
	_ =	sdelay $0x1  }
0x9f: {  	s19 =	simm.s32 $_scs_section_size  }
0xa0: {  	s5 =	simm.s32 $_size__tile_overlayer_lowered;
	s6 =	simm.s32 $_tile_overlayer_lowered  }
0xa1: {  	s22 =	simm.s32 $0x1BFF;
	s21 =	sshll.u32 s6, $0x1;
	s3 =	sadd.s32 s19, s18  }
0xa2: {  	s7 =	simm.s32 $0x0;
	s20 =	sshll.u32 s5, $0x1;
	s5 =	sadd.s32 s21, s3  }
0xa3: {  	[timem:s7], [sflag:s22] =	dma.local [hbm:s5], s20  }
0xa4: {  	_ =	swait.ge [sflag:s22], s20  }
0xa5: {  	s4 =	ssub.s32 $0x0, s20;
	[sflag:s22] =	ssyncset.done $0x0  }
0xa6: {  	[sflag:s22] =	ssyncadd.s32 s4;
	_ =	sdelay $0x1  }
0xa7: {  	s23 =	simm.s32 $0x1B8B  }
0xa8: {  	_ =	swait.ge [sflag:s23], $0x1  }
0xa9: {  	[sflag:s23] =	ssyncset.done $0x0  }
0xaa: {  	s25 =	simm.s32 $0x1B8E;
	s24 =	sld [smem:$0x3FFE];
	[sflag:s23] =	ssyncadd.s32 $0xFFFFFFFF  }
0xab: {  	s26 =	simm.s32 $execute0_lowered;
	[smem:$0x3FD2] =	sst s25  }
0xac: {  	s5 =	sshll.u32 s26, $0x1;
	_ =	strace $0x8000004C;
	[dreg:$0x1] =	wrdreg $0xFFFFFFFF  }
0xad: {  	s28 =	simm.s32 $_size_execute0_lowered;
	s3 =	sadd.s32 s3, s5;
	[dreg:$0x0] =	wrdreg $0x0  }
0xae: {  	s5 =	sshll.u32 s28, $0x1;
	[dreg:$0x2] =	wrdreg s3  }
0xaf: {  	[dreg:$0x3] =	wrdreg s5  }
0xb0: {  	[dreg:$0x4] =	wrdreg $0xC0  }
0xb1: {  	_ =	task [dreg:s7], $0x5FFFF  }
0xb2: {  	[dreg:$0x1] =	wrdreg $0xFFFFFFFF  }
0xb3: {  	[dreg:$0x0] =	wrdreg $0x60  }
0xb4: {  	[dreg:$0x2] =	wrdreg s24  }
0xb5: {  	[dreg:$0x3] =	wrdreg s16  }
0xb6: {  	[dreg:$0x4] =	wrdreg $0x84000  }
0xb7: {  	[dreg:$0x5] =	wrdreg $0x9  }
0xb8: {  	_ =	task.clear_ibuf [dreg:s7], $0x6FFFF;
	_ =	strace $0x9000004C  }
0xb9: {  	s29 =	simm.s32 $0x9;
	_ =	strace $0x8000004E  }
0xba: {  	_ =	swait.ge [sflag:s29], $0x1  }
0xbb: {  	[sflag:s29] =	ssyncadd.s32 $0xFFFFFFFF  }
0xbc: {  	_ =	strace $0x9000004E  }
0xbd: {  	_ =	sfence  }
0xbe: {  	s30 =	sld [smem:$0x0];
	_ =	sdelay $0x2  }
0xbf: {  	s31 =	sshll.u32 s1, $0xD;
	s1 =	sshrl.u32 s1, $0x2  }
0xc0: {  	s3 =	sand.u32 $0x4000, s31;
	s1 =	sadd.s32 s1, s30  }
0xc1: {  	s0 =	sor.u32 s3, s0;
	s1 =	sshll.u32 s1, $0x11  }
0xc2: {  	s0 =	sor.u32 s1, s0  }
0xc3: {  	s0 =	sadd.s32 $0x8F2B, s0  }
0xc4: {  	[sflag:s0] =	ssyncadd.remote.s32 $0x1  }
0xc5: {  	_ =	sfence.sel $0xFFFF  }
0xc6: {  	[dreg:$0x0] =	wrdreg $0xFFFFFFFF;
	(pc) =	sbr.abs _section_cstart, $3  }
0xc7: {  	[dreg:$0x1] =	wrdreg $0xFFFFFFFF  }
0xc8: {  	_ =	task.clear_ibuf [dreg:s7], $0x2FFFF;
	_ =	strace $0x9FFFFFFF  }
0xc9: {  	(tm) =	ssettm $0x7FFFFFFF  }
tec
execute0_lowered:
.L_overlay_start_1:
0x0: {  	(tag) =	ssettag $0x1  }
0x1: {  	s8 =	rddreg [dreg:$0x0]  }
0x2: {  	s1 =	rddreg [dreg:$0x1]  }
0x3: {  	s2 =	rddreg [dreg:$0x2]  }
0x4: {  	s3 =	srdreg.scid;
	s4 =	simm.s32 $0x0;
	s0 =	stileid.u32  }
0x5: {  	s17 =	simm.s32 $0x2;
	s18 =	simm.s32 $0x100;
	s19 =	simm.s32 $0x80  }
0x6: {  	s20 =	simm.s32 $0x400;
	s22 =	simm.s32 $0x1;
	s23 =	simm.s32 $0x200  }
0x7: {  	s24 =	simm.s32 $0x3;
	s25 =	simm.s32 $0x0;
	s7 =	smul.u32 $0x14000, s0  }
0x8: {  	s9 =	sand.u32 $0x1, s3;
	[smem:$0x7FF] =	sst s4;
	s10 =	smul.u32 $0x50000, s0  }
0x9: {  	s5 =	sadd.s32 $0x6800, s8;
	s29 =	sshll.u32 s0, $0x6;
	s6 =	smul.u32 $0x140000, s9  }
0xa: {  	_ =	strace $0x8000004D;
	s11 =	ssub.s32 $0x2, s9;
	s14 =	smul.u32 $0x2800, s9  }
0xb: {  	s9 =	smul.u32 $0x28, s9;
	s13 =	sshrl.u32 s11, $0x1;
	s28 =	sshrl.u32 s10, $0x2  }
0xc: {  	s7 =	sadd.s32 s7, s6;
	s6 =	smul.u32 $0x5000, s0;
	s13 =	ssub.s32 s11, s13  }
0xd: {  	s15 =	sadd.s32 s28, s2;
	s12 =	sshrl.u32 s7, $0x3;
	s7 =	sadd.s32 $0x4000, s8  }
0xe: {  	s13 =	smax.u32 s13, $0x1;
	s15 =	sshrl.u32 s15, $0x3;
	s14 =	sadd.s32 s14, s6  }
0xf: {  	s12 =	sadd.s32 s12, s8;
	s8 =	sor.u32 $0x1C04, s29;
	s30 =	sor.u32 $0x100, s14  }
0x10: {  	s31 =	sshrl.u32 s14, $0x3;
	s14 =	sor.u32 $0x200, s14;
	s12 =	sadd.s32 $0x2DA00, s12  }
0x11: {  	s16 =	sshrl.u32 s30, $0x3;
	s10 =	sadd.s32 s1, s31;
	s14 =	sshrl.u32 s14, $0x3  }
0x12: {  	s11 =	sadd.s32 s1, s16;
	s14 =	sadd.s32 s1, s14;
	s16 =	simm.s32 $0x4  }
.LBB2_1:
0x13: {  	[spmem:s15], [sflag:s8] =	dma.local [hbm:s7], $0x2800  }
0x14: {  	_ =	swait.ge [sflag:s16], $0x2800  }
0x15: {  	[sflag:s16] =	ssyncset.done $0x0  }
0x16: {  	[sflag:s16] =	ssyncadd.s32 $0xFFFFD800  }
0x17: {  	[tilespmem:s4], [sflag:$0x2] =	stream.linear.gather [hbm4b:s10+s4], $0x100, $0x38;
	[tilespmem:$0x1C400] =	vst v63  }
0x18: {  	_ =	swait.ge [sflag:s17], $0x100  }
0x19: {  	[sflag:s17] =	ssyncset.done $0x0  }
0x1a: {  	[sflag:s17] =	ssyncadd.s32 $0xFFFFFF00  }
0x1b: {  	[tilespmem:s18], [sflag:$0x2] =	stream.linear.gather [hbm4b:s11+s4], $0x100, $0x38;
	[tilespmem:$0x1C400] =	vst v63  }
0x1c: {  	[bflag:$0x0] =	sbarrier.arrive $0xFFFF  }
0x1d: {  	[tilespmem:s20], [sflag:$0x1] =	stream.indirect.gather [hbm4b:s5+s19], $0x80, s4, s19, $0xb8;
	[tilespmem:$0x1C400] =	vst v63  }
0x1e: {  	_ =	swait.ge [sflag:s17], $0x100  }
0x1f: {  	[sflag:s17] =	ssyncset.done $0x0  }
0x20: {  	s0 =	simm.s32 $0x4400;
	[sflag:s17] =	ssyncadd.s32 $0xFFFFFF00  }
0x21: {  	[tilespmem:s0], [sflag:$0x1] =	stream.indirect.gather [hbm4b:s5+s19], $0x80, s18, s19, $0xb8;
	[tilespmem:$0x1C400] =	vst v63  }
0x22: {  	_ =	swait.ge [sflag:s22], $0x4000  }
0x23: {  	[sflag:s22] =	ssyncset.done $0x0  }
0x24: {  	[sflag:s22] =	ssyncadd.s32 $0xFFFFC000  }
0x25: {  	[spmem:s2] =	stream.indirect.scatter.add.f32 [tilespmem:s20], [sflag:$0x3], $0x80, s19, s19, $0xb8;
	[tilespmem:$0x1C400] =	vst v63  }
0x26: {  	_ = 	snop  }
0x27: {  	[tilespmem:s23], [sflag:$0x2] =	stream.linear.gather [hbm4b:s14+s4], $0x100, $0x38;
	[tilespmem:$0x1C400] =	vst v63  }
0x28: {  	_ =	swait.ge [sflag:s17], $0x100  }
0x29: {  	[sflag:s17] =	ssyncset.done $0x0  }
0x2a: {  	s26 =	simm.s32 $0x1;
	s28 =	simm.s32 $0x800;
	[sflag:s17] =	ssyncadd.s32 $0xFFFFFF00  }
0x2b: {  	s30 =	smin.u32 s24, $0x27;
	s26 =	sand.u32 $0x1, s26;
	_ =	swait.ge [sflag:s24], $0x4000  }
0x2c: {  	s31 =	sand.u32 $0xC00, s28;
	s29 =	sshll.u32 s26, $0xE;
	[sflag:s24] =	ssyncset.done $0x0  }
0x2d: {  	s26 =	sshrl.u32 s31, $0x2;
	s28 =	sxor.u32 $0x4400, s29;
	[sflag:s24] =	ssyncadd.s32 $0xFFFFC000  }
0x2e: {  	[tilespmem:s28], [sflag:$0x1] =	stream.indirect.gather [hbm4b:s5+s19], $0x80, s26, s19, $0xb8;
	[tilespmem:$0x1C400] =	vst v63  }
0x2f: {  	s30 =	sadd.s32 s9, s30;
	s28 =	simm.s32 $0x400  }
0x30: {  	s30 =	sshll.u32 s30, $0x8;
	_ =	swait.ge [sflag:s22], $0x4000;
	s28 =	sand.u32 $0xC00, s28  }
0x31: {  	s29 =	sor.u32 $0x400, s29;
	[sflag:s22] =	ssyncset.done $0x0;
	s28 =	sshrl.u32 s28, $0x2  }
0x32: {  	s26 =	simm.s32 $0xC00;
	[sflag:s22] =	ssyncadd.s32 $0xFFFFC000;
	s28 =	sor.u32 $0x80, s28  }
0x33: {  	[spmem:s2] =	stream.indirect.scatter.add.f32 [tilespmem:s29], [sflag:$0x3], $0x80, s28, s19, $0xb8;
	[tilespmem:$0x1C400] =	vst v63  }
0x34: {  	s30 =	sadd.s32 s6, s30;
	s29 =	sand.u32 $0xC00, s26  }
0x35: {  	s30 =	sshrl.u32 s30, $0x3;
	s28 =	simm.s32 $0x4;
	s29 =	sshrl.u32 s29, $0x2  }
.LBB2_2:
0x36: {  	p0 =	sne.s32 s28, $0x29;
	s30 =	sadd.s32 s1, s30;
	s26 =	sadd.s32 $0x400, s26  }
0x37: {  	[tilespmem:s29], [sflag:$0x2] =	stream.linear.gather [hbm4b:s30+s4], $0x100, $0x38;
	[tilespmem:$0x1C400] =	vst v63  }
0x38: {  	s29 =	smov.u32 s28;
	s28 =	sadd.s32 $0x1, s28  }
0x39: {  	s30 =	sand.u32 $0xC00, s26;
	_ =	swait.ge [sflag:s17], $0x100  }
0x3a: {  	s31 =	sadd.s32 $0xFFFFF800, s26;
	s0 =	smin.u32 s29, $0x27;
	[sflag:s17] =	ssyncset.done $0x0  }
0x3b: {  	s29 =	sadd.s32 $0xFFFFFFFE, s29;
	s0 =	sadd.s32 s9, s0;
	[sflag:s17] =	ssyncadd.s32 $0xFFFFFF00  }
0x3c: {  	s3 =	sadd.s32 $0xFFFFFC00, s26;
	s29 =	sand.u32 $0x1, s29;
	_ =	swait.ge [sflag:s24], $0x4000  }
0x3d: {  	s3 =	sand.u32 $0xC00, s3;
	s29 =	sshll.u32 s29, $0xE;
	[sflag:s24] =	ssyncset.done $0x0  }
0x3e: {  	s3 =	sshrl.u32 s3, $0x2;
	s21 =	sxor.u32 $0x4400, s29;
	[sflag:s24] =	ssyncadd.s32 $0xFFFFC000  }
0x3f: {  	[tilespmem:s21], [sflag:$0x1] =	stream.indirect.gather [hbm4b:s5+s19], $0x80, s3, s19, $0xb8;
	[tilespmem:$0x1C400] =	vst v63  }
0x40: {  	s3 =	sor.u32 $0x400, s29  }
.Ltmp0:
0x41: {  	s21 =	sand.u32 $0xC00, s31;
	_ =	swait.ge [sflag:s22], $0x4000;
	(pc) =	sbr.rel @p0 .LBB2_2-.Ltmp0, $4  }
0x42: {  	s0 =	sshll.u32 s0, $0x8;
	s21 =	sshrl.u32 s21, $0x2;
	[sflag:s22] =	ssyncset.done $0x0  }
0x43: {  	s0 =	sadd.s32 s6, s0;
	s21 =	sor.u32 $0x80, s21;
	[sflag:s22] =	ssyncadd.s32 $0xFFFFC000  }
0x44: {  	[spmem:s2] =	stream.indirect.scatter.add.f32 [tilespmem:s3], [sflag:$0x3], $0x80, s21, s19, $0xb8;
	[tilespmem:$0x1C400] =	vst v63  }
0x45: {  	s29 =	sshrl.u32 s30, $0x2;
	s30 =	sshrl.u32 s0, $0x3  }
0x46: {  	s0 =	sadd.s32 s1, s30  }
0x47: {  	[tilespmem:s29], [sflag:$0x2] =	stream.linear.gather [hbm4b:s0+s4], $0x100, $0x38;
	[tilespmem:$0x1C400] =	vst v63  }
0x48: {  	_ =	swait.ge [sflag:s17], $0x100  }
0x49: {  	[sflag:s17] =	ssyncset.done $0x0  }
0x4a: {  	[sflag:s17] =	ssyncadd.s32 $0xFFFFFF00  }
0x4b: {  	_ =	swait.ge [sflag:s22], $0x4000  }
0x4c: {  	[sflag:s22] =	ssyncset.done $0x0  }
0x4d: {  	[sflag:s22] =	ssyncadd.s32 $0xFFFFC000  }
0x4e: {  	_ =	swait.ge [sflag:s24], $0x4000  }
0x4f: {  	s25 =	sadd.s32 $0x1, s25;
	[sflag:s24] =	ssyncset.done $0x0  }
0x50: {  	p0 =	sne.s32 s25, s13;
	[sflag:s24] =	ssyncadd.s32 $0xFFFFC000  }
.Ltmp1:
0x51: {  	[bflag:$0x0] =	sbarrier.arrive $0xFFFF;
	(pc) =	sbr.rel @p0 .LBB2_1-.Ltmp1, $4  }
0x52: {  	[hbm:s12], [sflag:s8] =	dma.local [spmem:s15], $0x2800  }
0x53: {  	_ =	swait.ge [sflag:s16], $0x2800  }
0x54: {  	[sflag:s16] =	ssyncset.done $0x0  }
0x55: {  	[sflag:s16] =	ssyncadd.s32 $0xFFFFD800  }
0x56: {  	_ =	sfence.sel $0x180000  }
0x57: {  	[bflag:$0x0] =	sbarrier.arrive $0xFFFF  }
0x58: {  	_ =	strace $0x9000004D  }
0x59: {  	s0 =	stileid.u32;
	[bflag:$0x2] =	sbarrier.arrive $0xFFFF  }
0x5a: {  	p0 =	sne.s32 s0, $0x0;
	s0 =	rddreg [dreg:$0x3]  }
0x5b: {  	s0 =	sadd.s32 @!p0 $0x100000, s0  }
0x5c: {  	[sflag:s0] =	ssyncadd.tile.s32 @!p0 $0x1;
	_ =	shalt  }
.Lfunc_end2:
_tile_overlayer_lowered:
.L_overlay_start_2:
0x5d: {  	(tag) =	ssettag $0x2  }
0x5e: {  	s0 =	rddreg [dreg:$0x0];
	s2 =	stileid.u32  }
0x5f: {  	s1 =	rddreg [dreg:$0x1];
	p0 =	sne.s32 s2, $0x0  }
0x60: {  	s3 =	rddreg [dreg:$0x2];
	[bflag:$0x3] =	sbarrier.arrive $0xFFFF;
	s2 =	simm.s32 @!p0 $0x1C04  }
0x61: {  	[timem:s3], [sflag:s2] =	dma.local @!p0 [hbm:s0], s1  }
0x62: {  	s0 =	simm.s32 @!p0 $0x4  }
0x63: {  	_ =	swait.ge @!p0 [sflag:s0], s1  }
0x64: {  	s1 =	ssub.s32 @!p0 $0x0, s1;
	[sflag:s0] =	ssyncset.done @!p0 $0x0  }
0x65: {  	[sflag:s0] =	ssyncadd.s32 @!p0 s1  }
0x66: {  	[bflag:$0x3] =	sbarrier.arrive $0xFFFF  }
0x67: {  	_ =	shalt  }

// kernel: kernel.9.cloned.1.call-start
scs
__scs_entry_jumppad:
0x0: {  	(pc) =	sbr.rel $0x88, $3  }
0x1: {  	(tag) =	ssettag $0x0;
	lr =	simm.s32 $0x1  }
0x2: {  	[smem:$0x3F97] =	sst lr;
	_ =	strace $0xD0000000  }
0x3: {  	_ = 	snop  }
0x4: {  	_ = 	snop  }
0x5: {  	_ = 	snop  }
0x6: {  	_ = 	snop  }
0x7: {  	_ = 	snop  }
__scs_overlays_trampoline_lowered:
0x8: {  	[smem:$0x3FA6] =	sst s0  }
0x9: {  	[smem:$0x3FA7] =	sst s1  }
0xa: {  	[smem:$0x3FA8] =	sst s2  }
0xb: {  	[smem:$0x3FA9] =	sst s3  }
0xc: {  	[smem:$0x3FAA] =	sst s4  }
0xd: {  	[smem:$0x3FAB] =	sst s5  }
0xe: {  	[smem:$0x3FAC] =	sst s6  }
0xf: {  	[smem:$0x3FAD] =	sst s7  }
0x10: {  	[smem:$0x3FAE] =	sst s8  }
0x11: {  	[smem:$0x3FAF] =	sst s9;
	s0 =	simm.s32 @!p0 $0x0  }
0x12: {  	s1 =	sld [smem:$0x3F95];
	s0 =	simm.s32 @p0 $0x1  }
0x13: {  	[smem:$0x3FB0] =	sst s0;
	s0 =	simm.s32 @!p1 $0x0  }
0x14: {  	s2 =	sld [smem:$0x3F94];
	s0 =	simm.s32 @p1 $0x1  }
0x15: {  	[smem:$0x3FB1] =	sst s0;
	s0 =	simm.s32 @!p2 $0x0  }
0x16: {  	s3 =	sld [smem:$0x3FDB];
	s0 =	simm.s32 @p2 $0x1  }
0x17: {  	s4 =	simm.s32 $0x1BF5;
	[smem:$0x3FB3] =	sst s0  }
0x18: {  	s0 =	sld [smem:$0x3F96];
	_ =	swait.ge [sflag:s4], $0x0  }
0x19: {  	s7 =	sld [smem:$0x3F97]  }
0x1a: {  	s8 =	sadd.s32 $0xFFFFE003, lr  }
0x1b: {  	s9 =	sadd.s32 $0xFFFFFEF7, lr;
	s5 =	simm.s32 $0xFFFFFFFF;
	p2 =	slt.u32 s8, $0xFFFFF086  }
0x1c: {  	p1 =	slt.u32 s9, $0xF7A;
	s5 =	simm.s32 @!p2 $0x0  }
0x1d: {  	s5 =	simm.s32 @p1 $0x1;
	p0 =	seq.s32 s7, s2  }
0x1e: {  	s7 =	smul.u32 @!p0 $0xF7A, s2;
	p2 =	seq.s32 @!p0 s5, $0x0  }
0x1f: {  	s9 =	smul.u32 $0xF7A, s1;
	s8 =	simm.s32 @!p0 $0x1BF5;
	p2 =	por !p2, p0  }
0x20: {  	[sflag:s8] =	ssyncset.s32 @!p0 $0xFFFFF086;
	s6 =	sadd.s32 @!p0 s3, s7;
	s7 =	simm.s32 @!p0 $0x108  }
0x21: {  	s3 =	sadd.s32 s3, s9;
	s6 =	sadd.s32 @!p0 $0x88, s6;
	s7 =	simm.s32 @p2 $0x1082  }
0x22: {  	[simem:s7], [sflag:s8] =	dma.local @!p0 [hbm:s6], $0xF7A  }
0x23: {  	s9 =	sor.u32 $0xD0000000, s2;
	s6 =	simm.s32 $0x108;
	_ =	swait.ge @!p0 [sflag:s8], $0x0  }
0x24: {  	s3 =	sadd.s32 $0x88, s3;
	s6 =	simm.s32 @!p1 $0x1082;
	[sflag:s4] =	ssyncset.s32 $0xFFFFF086  }
0x25: {  	[simem:s6], [sflag:s4] =	dma.local [hbm:s3], $0xF7A  }
0x26: {  	[smem:$0x3F97] =	sst s1;
	(tag) =	ssettag s2;
	_ =	strace s9  }
0x27: {  	s1 =	sld [smem:$0x3FA7]  }
0x28: {  	s2 =	sld [smem:$0x3FA8]  }
0x29: {  	s4 =	sld [smem:$0x3FAA]  }
0x2a: {  	p0 =	seq.s32 s5, $0x0;
	s5 =	sld [smem:$0x3FAB]  }
0x2b: {  	s6 =	sld [smem:$0x3FAC]  }
0x2c: {  	s7 =	sld [smem:$0x3FAD]  }
0x2d: {  	s3 =	simm.s32 $0x108;
	s8 =	sld [smem:$0x3FAE]  }
0x2e: {  	s3 =	simm.s32 @!p0 $0x1082;
	s9 =	sld [smem:$0x3FAF]  }
0x2f: {  	lr =	sadd.s32 s0, s3;
	s0 =	sld [smem:$0x3FA6]  }
0x30: {  	s3 =	sld [smem:$0x3FA9]  }
0x31: {  	[smem:$0x3FB2] =	sst s10  }
0x32: {  	s10 =	sld [smem:$0x3FB0];
	_ =	sdelay $0x3  }
0x33: {  	p0 =	seq.s32 s10, $0x1;
	s10 =	sld [smem:$0x3FB2];
	_ =	sdelay $0x3  }
0x34: {  	[smem:$0x3FB2] =	sst s10  }
0x35: {  	s10 =	sld [smem:$0x3FB1];
	_ =	sdelay $0x3  }
0x36: {  	p1 =	seq.s32 s10, $0x1;
	s10 =	sld [smem:$0x3FB2];
	_ =	sdelay $0x3  }
0x37: {  	[smem:$0x3FB2] =	sst s10  }
0x38: {  	s10 =	sld [smem:$0x3FB3]  }
0x39: {  	_ = 	snop;
	(pc) =	sbr.ind lr, $3  }
0x3a: {  	_ = 	snop  }
0x3b: {  	_ = 	snop  }
0x3c: {  	p2 =	seq.s32 s10, $0x1;
	s10 =	sld [smem:$0x3FB2]  }
0x3d: {  	_ =	shalt  }
0x3e: {  	_ =	shalt  }
0x3f: {  	_ =	shalt  }
0x40: {  	_ =	shalt  }
0x41: {  	_ =	shalt  }
0x42: {  	_ =	shalt  }
0x43: {  	_ =	shalt  }
0x44: {  	_ =	shalt  }
0x45: {  	_ =	shalt  }
0x46: {  	_ =	shalt  }
0x47: {  	_ =	shalt  }
0x48: {  	_ =	shalt  }
0x49: {  	_ =	shalt  }
0x4a: {  	_ =	shalt  }
0x4b: {  	_ =	shalt  }
0x4c: {  	_ =	shalt  }
0x4d: {  	_ =	shalt  }
0x4e: {  	_ =	shalt  }
0x4f: {  	_ =	shalt  }
0x50: {  	_ =	shalt  }
0x51: {  	_ =	shalt  }
0x52: {  	_ =	shalt  }
0x53: {  	_ =	shalt  }
0x54: {  	_ =	shalt  }
0x55: {  	_ =	shalt  }
0x56: {  	_ =	shalt  }
0x57: {  	_ =	shalt  }
0x58: {  	_ =	shalt  }
0x59: {  	_ =	shalt  }
0x5a: {  	_ =	shalt  }
0x5b: {  	_ =	shalt  }
0x5c: {  	_ =	shalt  }
0x5d: {  	_ =	shalt  }
0x5e: {  	_ =	shalt  }
0x5f: {  	_ =	shalt  }
0x60: {  	_ =	shalt  }
0x61: {  	_ =	shalt  }
0x62: {  	_ =	shalt  }
0x63: {  	_ =	shalt  }
0x64: {  	_ =	shalt  }
0x65: {  	_ =	shalt  }
0x66: {  	_ =	shalt  }
0x67: {  	_ =	shalt  }
0x68: {  	_ =	shalt  }
0x69: {  	_ =	shalt  }
0x6a: {  	_ =	shalt  }
0x6b: {  	_ =	shalt  }
0x6c: {  	_ =	shalt  }
0x6d: {  	_ =	shalt  }
0x6e: {  	_ =	shalt  }
0x6f: {  	_ =	shalt  }
0x70: {  	_ =	shalt  }
0x71: {  	_ =	shalt  }
0x72: {  	_ =	shalt  }
0x73: {  	_ =	shalt  }
0x74: {  	_ =	shalt  }
0x75: {  	_ =	shalt  }
0x76: {  	_ =	shalt  }
0x77: {  	_ =	shalt  }
0x78: {  	_ =	shalt  }
0x79: {  	_ =	shalt  }
0x7a: {  	_ =	shalt  }
0x7b: {  	_ =	shalt  }
0x7c: {  	_ =	shalt  }
0x7d: {  	_ =	shalt  }
0x7e: {  	_ =	shalt  }
0x7f: {  	_ =	shalt  }
0x80: {  	_ =	shalt  }
0x81: {  	_ =	shalt  }
0x82: {  	_ =	shalt  }
0x83: {  	_ =	shalt  }
0x84: {  	_ =	shalt  }
0x85: {  	_ =	shalt  }
0x86: {  	_ =	shalt  }
0x87: {  	_ =	shalt  }
.Lfunc_end0:
.L_simem_size_0:
called_computation_lowered:
.L_overlay_start_0:
0x88: {  	s2 =	sld [smem:$0x3FD9]  }
0x89: {  	s3 =	sld [smem:$0x3FFE];
	_ =	sdelay $0x1  }
0x8a: {  	s1 =	srdreg.scid  }
0x8b: {  	s0 =	sand.u32 $0x1, s1  }
0x8c: {  	s14 =	sshll.u32 s0, $0xA;
	s2 =	sadd.s32 s3, s2  }
0x8d: {  	s2 =	sadd.s32 s2, s14  }
0x8e: {  	[smem:$0x3FBE] =	sst s2  }
0x8f: {  	_ = 	snop  }
0x90: {  	s2 =	sld [smem:$0x3FD0];
	_ =	sdelay $0x2  }
0x91: {  	s15 =	simm.s32 $0xA;
	s4 =	simm.s32 $0x10  }
0x92: {  	[smem:s4], [sflag:s15] =	dma.local [hbm:s2], $0x1  }
0x93: {  	_ =	swait.eq [sflag:s15], $0x1  }
0x94: {  	[sflag:s15] =	ssyncset.done $0x0  }
0x95: {  	[sflag:s15] =	ssyncadd.s32 $0xFFFFFFFF  }
0x96: {  	s16 =	sld [smem:$0x10];
	(tm) =	ssettm $0x1  }
0x97: {  	s17 =	sld [smem:$0x3FFB];
	_ =	sdelay $0x3  }
0x98: {  	_ =	strace s17  }
0x99: {  	s3 =	sld [smem:$0x3FFC];
	_ =	sdelay $0x3  }
0x9a: {  	_ =	strace s3  }
0x9b: {  	s3 =	sld [smem:$0x3FFD];
	_ =	sdelay $0x3  }
0x9c: {  	_ =	strace s3  }
0x9d: {  	_ =	strace $0x8FFFFFFF  }
0x9e: {  	s18 =	sld [smem:$0x3FDB];
	_ =	sdelay $0x1  }
0x9f: {  	s19 =	simm.s32 $_scs_section_size  }
0xa0: {  	s5 =	simm.s32 $_size__tile_overlayer_lowered;
	s6 =	simm.s32 $_tile_overlayer_lowered  }
0xa1: {  	s22 =	simm.s32 $0x1BFF;
	s21 =	sshll.u32 s6, $0x1;
	s3 =	sadd.s32 s19, s18  }
0xa2: {  	s7 =	simm.s32 $0x0;
	s20 =	sshll.u32 s5, $0x1;
	s5 =	sadd.s32 s21, s3  }
0xa3: {  	[timem:s7], [sflag:s22] =	dma.local [hbm:s5], s20  }
0xa4: {  	_ =	swait.ge [sflag:s22], s20  }
0xa5: {  	s4 =	ssub.s32 $0x0, s20;
	[sflag:s22] =	ssyncset.done $0x0  }
0xa6: {  	[sflag:s22] =	ssyncadd.s32 s4;
	_ =	sdelay $0x1  }
0xa7: {  	s23 =	simm.s32 $0x1B8B  }
0xa8: {  	_ =	swait.ge [sflag:s23], $0x1  }
0xa9: {  	[sflag:s23] =	ssyncset.done $0x0  }
0xaa: {  	s25 =	simm.s32 $0x1B8E;
	s24 =	sld [smem:$0x3FFE];
	[sflag:s23] =	ssyncadd.s32 $0xFFFFFFFF  }
0xab: {  	s26 =	simm.s32 $execute0_lowered;
	[smem:$0x3FD2] =	sst s25  }
0xac: {  	s5 =	sshll.u32 s26, $0x1;
	_ =	strace $0x80000046;
	[dreg:$0x1] =	wrdreg $0xFFFFFFFF  }
0xad: {  	s28 =	simm.s32 $_size_execute0_lowered;
	s3 =	sadd.s32 s3, s5;
	[dreg:$0x0] =	wrdreg $0x0  }
0xae: {  	s5 =	sshll.u32 s28, $0x1;
	[dreg:$0x2] =	wrdreg s3  }
0xaf: {  	[dreg:$0x3] =	wrdreg s5  }
0xb0: {  	[dreg:$0x4] =	wrdreg $0xC0  }
0xb1: {  	_ =	task [dreg:s7], $0x5FFFF  }
0xb2: {  	[dreg:$0x1] =	wrdreg $0xFFFFFFFF  }
0xb3: {  	[dreg:$0x0] =	wrdreg $0x60  }
0xb4: {  	[dreg:$0x2] =	wrdreg s16  }
0xb5: {  	[dreg:$0x3] =	wrdreg s24  }
0xb6: {  	[dreg:$0x4] =	wrdreg $0x54000  }
0xb7: {  	[dreg:$0x5] =	wrdreg $0x9  }
0xb8: {  	_ =	task.clear_ibuf [dreg:s7], $0x6FFFF;
	_ =	strace $0x90000046  }
0xb9: {  	s29 =	simm.s32 $0x9;
	_ =	strace $0x80000048  }
0xba: {  	_ =	swait.ge [sflag:s29], $0x1  }
0xbb: {  	[sflag:s29] =	ssyncadd.s32 $0xFFFFFFFF  }
0xbc: {  	_ =	strace $0x90000048  }
0xbd: {  	_ =	sfence  }
0xbe: {  	s30 =	sld [smem:$0x0];
	_ =	sdelay $0x2  }
0xbf: {  	s31 =	sshll.u32 s1, $0xD;
	s1 =	sshrl.u32 s1, $0x2  }
0xc0: {  	s3 =	sand.u32 $0x4000, s31;
	s1 =	sadd.s32 s1, s30  }
0xc1: {  	s0 =	sor.u32 s3, s0;
	s1 =	sshll.u32 s1, $0x11  }
0xc2: {  	s0 =	sor.u32 s1, s0  }
0xc3: {  	s0 =	sadd.s32 $0x8F2B, s0  }
0xc4: {  	[sflag:s0] =	ssyncadd.remote.s32 $0x1  }
0xc5: {  	_ =	sfence.sel $0xFFFF  }
0xc6: {  	[dreg:$0x0] =	wrdreg $0xFFFFFFFF;
	(pc) =	sbr.abs _section_cstart, $3  }
0xc7: {  	[dreg:$0x1] =	wrdreg $0xFFFFFFFF  }
0xc8: {  	_ =	task.clear_ibuf [dreg:s7], $0x2FFFF;
	_ =	strace $0x9FFFFFFF  }
0xc9: {  	(tm) =	ssettm $0x7FFFFFFF  }
tec
execute0_lowered:
.L_overlay_start_1:
0x0: {  	(tag) =	ssettag $0x1  }
0x1: {  	s6 =	rddreg [dreg:$0x0]  }
0x2: {  	s7 =	rddreg [dreg:$0x1]  }
0x3: {  	s1 =	rddreg [dreg:$0x2]  }
0x4: {  	s2 =	srdreg.scid;
	s0 =	rddreg [dreg:$0x3]  }
0x5: {  	s3 =	simm.s32 $0x0;
	s13 =	simm.s32 $0x80;
	s14 =	simm.s32 $0x100  }
0x6: {  	s15 =	simm.s32 $0x1;
	s5 =	sand.u32 $0x1, s2;
	s2 =	stileid.u32  }
0x7: {  	s16 =	simm.s32 $0x0;
	[smem:$0x7FF] =	sst s3;
	s8 =	smul.u32 $0x140000, s5  }
0x8: {  	s9 =	smul.u32 $0x14000, s2;
	s4 =	sshll.u32 s5, $0x4;
	_ =	strace $0x80000047  }
0x9: {  	s28 =	ssub.s32 $0x2, s5;
	s11 =	smul.u32 $0x50000, s2;
	s5 =	sadd.s32 $0x4000, s7  }
0xa: {  	s31 =	sshll.u32 s2, $0x6;
	s10 =	sor.u32 s2, s4;
	s4 =	sadd.s32 $0x6800, s7  }
0xb: {  	s29 =	sshrl.u32 s28, $0x1;
	s8 =	sadd.s32 s9, s8;
	s26 =	smul.u32 $0x280, s10  }
0xc: {  	s30 =	sshrl.u32 s11, $0x2;
	s9 =	simm.s32 $0x2;
	s10 =	simm.s32 $0x1400  }
0xd: {  	s11 =	sor.u32 $0x1C02, s31;
	s8 =	sshrl.u32 s8, $0x3;
	s12 =	sadd.s32 s30, s1  }
0xe: {  	s7 =	sadd.s32 s8, s7;
	s8 =	ssub.s32 s28, s29;
	s6 =	sadd.s32 s6, s26  }
0xf: {  	s12 =	sshrl.u32 s12, $0x3;
	s7 =	sadd.s32 $0x7000, s7;
	s8 =	smax.u32 s8, $0x1  }
.LBB2_1:
0x10: {  	[tilespmem:s3], [sflag:$0x2] =	stream.linear.gather [hbm4b:s6+s3], $0x1400, $0x38;
	[tilespmem:$0x19400] =	vst v63  }
0x11: {  	_ =	swait.ge [sflag:s9], $0x1400  }
0x12: {  	[sflag:s9] =	ssyncset.done $0x0  }
0x13: {  	[sflag:s9] =	ssyncadd.s32 $0xFFFFEC00  }
0x14: {  	[tilespmem:s10], [sflag:$0x2] =	stream.linear.gather [hbm4b:s4+s3], $0x4000, $0x38;
	[tilespmem:$0x19400] =	vst v63  }
0x15: {  	_ =	swait.ge [sflag:s9], $0x4000  }
0x16: {  	[sflag:s9] =	ssyncset.done $0x0  }
0x17: {  	[sflag:s9] =	ssyncadd.s32 $0xFFFFC000  }
0x18: {  	[spmem:s12], [sflag:s11] =	dma.local [hbm:s5], $0x2800  }
0x19: {  	_ =	swait.ge [sflag:s9], $0x2800  }
0x1a: {  	[sflag:s9] =	ssyncset.done $0x0  }
0x1b: {  	[sflag:s9] =	ssyncadd.s32 $0xFFFFD800  }
0x1c: {  	[bflag:$0x0] =	sbarrier.arrive $0xFFFF  }
0x1d: {  	[spmem:s1] =	stream.indirect.scatter.add.f32 [tilespmem:s10], [sflag:$0x1], $0x80, s3, s13, $0xb8;
	[tilespmem:$0x19400] =	vst v63  }
0x1e: {  	_ = 	snop  }
0x1f: {  	[spmem:s1] =	stream.indirect.scatter.add.f32 [tilespmem:s10], [sflag:$0x1], $0x80, s13, s13, $0xb8;
	[tilespmem:$0x19400] =	vst v63  }
0x20: {  	_ = 	snop  }
0x21: {  	[spmem:s1] =	stream.indirect.scatter.add.f32 [tilespmem:s10], [sflag:$0x1], $0x80, s14, s13, $0xb8;
	[tilespmem:$0x19400] =	vst v63  }
0x22: {  	s17 =	simm.s32 $0x180  }
0x23: {  	[spmem:s1] =	stream.indirect.scatter.add.f32 [tilespmem:s10], [sflag:$0x1], $0x80, s17, s13, $0xb8;
	[tilespmem:$0x19400] =	vst v63  }
0x24: {  	_ =	swait.ge [sflag:s15], $0x4000  }
0x25: {  	s17 =	simm.s32 $0x800;
	[sflag:s15] =	ssyncset.done $0x0  }
.LBB2_2:
0x26: {  	s18 =	sshra.s32 s17, $0x2;
	[sflag:s15] =	ssyncadd.s32 $0xFFFFC000;
	p0 =	sne.s32 s17, $0x4E00  }
0x27: {  	[spmem:s1] =	stream.indirect.scatter.add.f32 [tilespmem:s10], [sflag:$0x1], $0x80, s18, s13, $0xb8;
	[tilespmem:$0x19400] =	vst v63  }
.Ltmp0:
0x28: {  	_ = 	snop;
	(pc) =	sbr.rel @p0 .LBB2_2-.Ltmp0, $4  }
0x29: {  	_ = 	snop  }
0x2a: {  	s17 =	sadd.s32 $0x200, s17  }
0x2b: {  	_ =	swait.ge [sflag:s15], $0x4000  }
0x2c: {  	[sflag:s15] =	ssyncset.done $0x0  }
0x2d: {  	[sflag:s15] =	ssyncadd.s32 $0xFFFFC000  }
0x2e: {  	_ =	swait.ge [sflag:s15], $0x4000  }
0x2f: {  	[sflag:s15] =	ssyncset.done $0x0  }
0x30: {  	[sflag:s15] =	ssyncadd.s32 $0xFFFFC000  }
0x31: {  	_ =	swait.ge [sflag:s15], $0x4000  }
0x32: {  	[sflag:s15] =	ssyncset.done $0x0  }
0x33: {  	[sflag:s15] =	ssyncadd.s32 $0xFFFFC000  }
0x34: {  	_ =	swait.ge [sflag:s15], $0x4000  }
0x35: {  	s16 =	sadd.s32 $0x1, s16;
	[sflag:s15] =	ssyncset.done $0x0  }
0x36: {  	p0 =	sne.s32 s16, s8;
	[sflag:s15] =	ssyncadd.s32 $0xFFFFC000  }
.Ltmp1:
0x37: {  	[bflag:$0x0] =	sbarrier.arrive $0xFFFF;
	(pc) =	sbr.rel @p0 .LBB2_1-.Ltmp1, $4  }
0x38: {  	[hbm:s7], [sflag:s11] =	dma.local [spmem:s12], $0x2800  }
0x39: {  	_ =	swait.ge [sflag:s9], $0x2800  }
0x3a: {  	[sflag:s9] =	ssyncset.done $0x0  }
0x3b: {  	[sflag:s9] =	ssyncadd.s32 $0xFFFFD800  }
0x3c: {  	_ =	sfence.sel $0x180000  }
0x3d: {  	[bflag:$0x0] =	sbarrier.arrive $0xFFFF  }
0x3e: {  	p0 =	sne.s32 s2, $0x0;
	_ =	strace $0x90000047  }
0x3f: {  	s0 =	sadd.s32 @!p0 $0x100000, s0;
	[bflag:$0x2] =	sbarrier.arrive $0xFFFF  }
0x40: {  	[sflag:s0] =	ssyncadd.tile.s32 @!p0 $0x1;
	_ =	shalt  }
.Lfunc_end2:
_tile_overlayer_lowered:
.L_overlay_start_2:
0x41: {  	(tag) =	ssettag $0x2  }
0x42: {  	s0 =	rddreg [dreg:$0x0];
	s2 =	stileid.u32  }
0x43: {  	s1 =	rddreg [dreg:$0x1];
	p0 =	sne.s32 s2, $0x0  }
0x44: {  	s3 =	rddreg [dreg:$0x2];
	[bflag:$0x3] =	sbarrier.arrive $0xFFFF;
	s2 =	simm.s32 @!p0 $0x1C02  }
0x45: {  	[timem:s3], [sflag:s2] =	dma.local @!p0 [hbm:s0], s1  }
0x46: {  	s0 =	simm.s32 @!p0 $0x2  }
0x47: {  	_ =	swait.ge @!p0 [sflag:s0], s1  }
0x48: {  	s1 =	ssub.s32 @!p0 $0x0, s1;
	[sflag:s0] =	ssyncset.done @!p0 $0x0  }
0x49: {  	[sflag:s0] =	ssyncadd.s32 @!p0 s1  }
0x4a: {  	[bflag:$0x3] =	sbarrier.arrive $0xFFFF  }
0x4b: {  	_ =	shalt  }

</sc_bundles>
